<compile_context>
chip_gen: v7x
topology: tpu7x:2x2x1
jax: 0.10.2.dev20260603
libtpu: 0.0.44.dev20260713+nightly
codegen_flags: <defaults>
</compile_context>

<pallas_src>
import functools

import jax
import jax.numpy as jnp
from jax import lax
from jax.experimental import pallas as pl
from jax.experimental.pallas import tpu as pltpu
from jax.experimental.pallas import tpu_sc as plsc

CHUNK = 16
NSTATES = 65536
NC, NS, L = 2, 16, 16
NW = NC * NS
BR, BC = 8, 1024
NBUF = 2


def kernel(states, lut):
    nrow, ncol = states.shape
    blk_per_tr = ncol // BC
    tr_per_w = nrow // 8 // 2
    nblk = tr_per_w * blk_per_tr
    lut_flat = lut.reshape(-1)

    mesh = plsc.VectorSubcoreMesh(core_axis_name="c", subcore_axis_name="s")

    @functools.partial(
        pl.kernel,
        out_type=jax.ShapeDtypeStruct((CHUNK, nrow, ncol), jnp.float32),
        mesh=mesh,
        scratch_types=[
            pltpu.VMEM((NSTATES,), jnp.float32),
            pltpu.VMEM((NBUF, BR, BC), jnp.int32),
            pltpu.VMEM((NBUF, BR, BC), jnp.float32),
            pltpu.SemaphoreType.DMA,
            [pltpu.SemaphoreType.DMA] * NBUF,
            [pltpu.SemaphoreType.DMA] * NBUF,
        ],
        compiler_params=pltpu.CompilerParams(
            needs_layout_passes=False, use_tc_tiling_on_sc=True),
    )
    def k(states_hbm, lut_hbm, out_hbm, lut_v, idx_v, res_v, lut_sem,
          in_sems, out_sems):
        wid = lax.axis_index("s") * NC + lax.axis_index("c")
        row = wid // 2
        half = wid % 2

        lut_cp = pltpu.async_copy(
            lut_hbm.at[pl.ds(row * NSTATES, NSTATES)], lut_v, lut_sem)

        def blk_slc(b):
            tr = half * tr_per_w + b // blk_per_tr
            c0 = (b % blk_per_tr) * BC
            return pl.ds(tr * BR, BR), pl.ds(c0, BC)

        def in_cp(b, j):
            r, c = blk_slc(b)
            return pltpu.make_async_copy(
                states_hbm.at[r, c], idx_v.at[j], in_sems[j])

        def out_cp(b, j):
            r, c = blk_slc(b)
            return pltpu.make_async_copy(
                res_v.at[j], out_hbm.at[row, r, c], out_sems[j])

        for j in range(NBUF):
            in_cp(j, j).start()
        lut_cp.wait()

        def blk_body(i, carry):
            for j in range(NBUF):
                b = i * NBUF + j
                in_cp(b, j).wait()
                pl.when(b >= NBUF)(lambda: out_cp(b - NBUF, j).wait())

                @plsc.parallel_loop(0, BC, step=L, unroll=2)
                def g_body(g):
                    for r in range(BR):
                        iv = idx_v[j, r, pl.ds(g, L)]
                        res_v[j, r, pl.ds(g, L)] = plsc.load_gather(
                            lut_v, [iv])

                out_cp(b, j).start()
                pl.when(b + NBUF < nblk)(lambda: in_cp(b + NBUF, j).start())
            return carry

        lax.fori_loop(0, nblk // NBUF, blk_body, 0)
        for j in range(NBUF):
            out_cp(nblk - NBUF + j, j).wait()

    return k(states, lut_flat)

# --- scband reference (transcript-rebuilt; emitter-appended) ---
"""Pipeline reference for scband-bit-shift-codebook-24498493456558 (READ-ONLY COPY).

The authoritative reference and input builder live on the scoring server;
editing this copy changes nothing except your own understanding.
"""

import jax, jax.numpy as jnp
import numpy as np

CHUNK_SIZE = 16
NUMBER_OF_STATES = 65536  # 2 ** state_bits, state_bits = 16
STATES_SHAPE = (64, 8192)


def setup_inputs(seed: int = 0) -> dict:
    key = jax.random.key(seed)
    k1, k2 = jax.random.split(key)
    # Learned LUT from the LUTProvider: [chunk_size, number_of_states]
    lut = jax.random.normal(k1, (CHUNK_SIZE, NUMBER_OF_STATES), dtype=jnp.float32)
    # Quantized state indices to reconstruct: values in [0, number_of_states)
    states = jax.random.randint(k2, STATES_SHAPE, 0, NUMBER_OF_STATES, dtype=jnp.int32)
    return {"states": states, "lut": lut}


def reference(states, lut):
    # BitShiftCodebook.reconstruct: self.lut[:, states]
    # -> gather columns of the LUT; output shape [chunk_size, *states.shape]
    return jnp.take(lut, states, axis=1)

if __name__ == "__main__":
    import jax
    _d = setup_inputs()
    print(jax.jit(kernel)(*tuple(_d.values())))

</pallas_src>

<mosaic_0001>
#map = affine_map<(d0, d1) -> (0, 0)>
#map1 = affine_map<(d0, d1) -> (0)>
#map2 = affine_map<(d0, d1) -> (0, 0, 0)>
module attributes {stable_mosaic.version = 14 : i64} {
  func.func @k(%arg0: i32, %arg1: i32, %arg2: memref<64x8192xi32, #tpu.memory_space<hbm>>, %arg3: memref<1048576xf32, #tpu.memory_space<hbm>>, %arg4: memref<16x64x8192xf32, #tpu.memory_space<hbm>>, %arg5: memref<65536xf32, #tpu.memory_space<vmem>>, %arg6: memref<2x8x1024xi32, #tpu.memory_space<vmem>>, %arg7: memref<2x8x1024xf32, #tpu.memory_space<vmem>>, %arg8: memref<!tpu.dma_semaphore, #tpu.memory_space<semaphore_mem>>, %arg9: memref<!tpu.dma_semaphore, #tpu.memory_space<semaphore_mem>>, %arg10: memref<!tpu.dma_semaphore, #tpu.memory_space<semaphore_mem>>, %arg11: memref<!tpu.dma_semaphore, #tpu.memory_space<semaphore_mem>>, %arg12: memref<!tpu.dma_semaphore, #tpu.memory_space<semaphore_mem>>) attributes {dimension_semantics = [#tpu.dimension_semantics<core_parallel>, #tpu.dimension_semantics<subcore_parallel>], iteration_bounds = array<i64: 2, 16>, scalar_prefetch = 0 : i64, scratch_operands = 8 : i64, tpu.core_type = #tpu.core_type<sc_vector_subcore>, window_params = [{transform_indices = #map}, {transform_indices = #map1}, {transform_indices = #map2}]} {
    %mul3A = arith.constant 2 : i32
    %mul3A_0 = arith.muli %arg1, %mul3A : i32
    %add3A = arith.addi %mul3A_0, %arg0 : i32
    %jit3A = arith.constant 2 : i32
    %div3A = arith.divsi %add3A, %jit3A : i32
    %sign3A = arith.constant 0 : i32
    %sign3A_1 = arith.cmpi sgt, %add3A, %sign3A : i32
    %sign3A_2 = arith.extui %sign3A_1 : i1 to i32
    %sign3A_3 = arith.constant 0 : i32
    %sign3A_4 = arith.cmpi slt, %add3A, %sign3A_3 : i32
    %sign3A_5 = arith.extui %sign3A_4 : i1 to i32
    %sign3A_6 = arith.subi %sign3A_2, %sign3A_5 : i32
    %sign3A_7 = arith.constant 0 : i32
    %sign3A_8 = arith.cmpi sgt, %jit3A, %sign3A_7 : i32
    %sign3A_9 = arith.extui %sign3A_8 : i1 to i32
    %sign3A_10 = arith.constant 0 : i32
    %sign3A_11 = arith.cmpi slt, %jit3A, %sign3A_10 : i32
    %sign3A_12 = arith.extui %sign3A_11 : i1 to i32
    %sign3A_13 = arith.subi %sign3A_9, %sign3A_12 : i32
    %ne3A = arith.cmpi ne, %sign3A_6, %sign3A_13 : i32
    %rem3A = arith.remsi %add3A, %jit3A : i32
    %ne3A_14 = arith.constant 0 : i32
    %ne3A_15 = arith.cmpi ne, %rem3A, %ne3A_14 : i32
    %and3A = arith.andi %ne3A, %ne3A_15 : i1
    %sub3A = arith.constant 1 : i32
    %sub3A_16 = arith.subi %div3A, %sub3A : i32
    %select_n3A = arith.select %and3A, %sub3A_16, %div3A : i32
    %jit3A_17 = arith.constant 2 : i32
    %eq3A = arith.constant 0 : i32
    %eq3A_18 = arith.cmpi eq, %jit3A_17, %eq3A : i32
    %jit3A_19 = arith.constant 1 : i32
    %select_n3A_20 = arith.select %eq3A_18, %jit3A_19, %jit3A_17 : i32
    %rem3A_21 = arith.remsi %add3A, %select_n3A_20 : i32
    %ne3A_22 = arith.constant 0 : i32
    %ne3A_23 = arith.cmpi ne, %rem3A_21, %ne3A_22 : i32
    %lt3A = arith.constant 0 : i32
    %lt3A_24 = arith.cmpi slt, %rem3A_21, %lt3A : i32
    %lt3A_25 = arith.constant 0 : i32
    %lt3A_26 = arith.cmpi slt, %select_n3A_20, %lt3A_25 : i32
    %ne3A_27 = arith.xori %lt3A_24, %lt3A_26 : i1
    %and3A_28 = arith.andi %ne3A_27, %ne3A_23 : i1
    %add3A_29 = arith.addi %rem3A_21, %select_n3A_20 : i32
    %select_n3A_30 = arith.select %and3A_28, %add3A_29, %rem3A_21 : i32
    %mul3A_31 = arith.constant 65536 : i32
    %mul3A_32 = arith.muli %select_n3A, %mul3A_31 : i32
    %dma_start3A = tpu.memref_slice %arg3[%mul3A_32] : memref<1048576xf32, #tpu.memory_space<hbm>> -> memref<65536xf32, #tpu.memory_space<hbm>>
    %dma_start3A_33 = tpu.memref_slice %arg3[%mul3A_32] : memref<1048576xf32, #tpu.memory_space<hbm>> -> memref<65536xf32, #tpu.memory_space<hbm>>
    tpu.enqueue_dma source(%dma_start3A_33 : memref<65536xf32, #tpu.memory_space<hbm>>) target(%arg5 : memref<65536xf32, #tpu.memory_space<vmem>>) target_semaphore(%arg8 : memref<!tpu.dma_semaphore, #tpu.memory_space<semaphore_mem>>)
    %mul3A_34 = arith.constant 4 : i32
    %mul3A_35 = arith.muli %select_n3A_30, %mul3A_34 : i32
    %add3A_36 = arith.constant 0 : i32
    %add3A_37 = arith.addi %mul3A_35, %add3A_36 : i32
    %mul3A_38 = arith.constant 8 : i32
    %mul3A_39 = arith.muli %add3A_37, %mul3A_38 : i32
    %dma_start3A_40 = arith.constant 0 : i32
    %dma_start3A_41 = arith.constant 0 : i32
    %dma_start3A_42 = arith.constant 0 : i32
    %dma_start3A_43 = tpu.memref_slice %arg6[%dma_start3A_40, %dma_start3A_41, %dma_start3A_42] : memref<2x8x1024xi32, #tpu.memory_space<vmem>> -> memref<1x8x1024xi32, #tpu.memory_space<vmem>>
    %dma_start3A_44 = tpu.memref_squeeze %dma_start3A_43 : memref<1x8x1024xi32, #tpu.memory_space<vmem>> -> memref<8x1024xi32, #tpu.memory_space<vmem>>
    %dma_start3A_45 = arith.constant 0 : i32
    %dma_start3A_46 = tpu.memref_slice %arg2[%mul3A_39, %dma_start3A_45] : memref<64x8192xi32, #tpu.memory_space<hbm>> -> memref<8x1024xi32, #tpu.memory_space<hbm>>
    %dma_start3A_47 = arith.constant 0 : i32
    %dma_start3A_48 = arith.constant 0 : i32
    %dma_start3A_49 = tpu.memref_slice %arg6[%dma_start3A_40, %dma_start3A_47, %dma_start3A_48] : memref<2x8x1024xi32, #tpu.memory_space<vmem>> -> memref<1x8x1024xi32, #tpu.memory_space<vmem>>
    %dma_start3A_50 = tpu.memref_squeeze %dma_start3A_49 : memref<1x8x1024xi32, #tpu.memory_space<vmem>> -> memref<8x1024xi32, #tpu.memory_space<vmem>>
    %dma_start3A_51 = arith.constant 0 : i32
    %dma_start3A_52 = tpu.memref_slice %arg2[%mul3A_39, %dma_start3A_51] : memref<64x8192xi32, #tpu.memory_space<hbm>> -> memref<8x1024xi32, #tpu.memory_space<hbm>>
    tpu.enqueue_dma source(%dma_start3A_52 : memref<8x1024xi32, #tpu.memory_space<hbm>>) target(%dma_start3A_50 : memref<8x1024xi32, #tpu.memory_space<vmem>>) target_semaphore(%arg9 : memref<!tpu.dma_semaphore, #tpu.memory_space<semaphore_mem>>)
    %mul3A_53 = arith.constant 4 : i32
    %mul3A_54 = arith.muli %select_n3A_30, %mul3A_53 : i32
    %add3A_55 = arith.constant 0 : i32
    %add3A_56 = arith.addi %mul3A_54, %add3A_55 : i32
    %mul3A_57 = arith.constant 8 : i32
    %mul3A_58 = arith.muli %add3A_56, %mul3A_57 : i32
    %dma_start3A_59 = arith.constant 1 : i32
    %dma_start3A_60 = arith.constant 0 : i32
    %dma_start3A_61 = arith.constant 0 : i32
    %dma_start3A_62 = tpu.memref_slice %arg6[%dma_start3A_59, %dma_start3A_60, %dma_start3A_61] : memref<2x8x1024xi32, #tpu.memory_space<vmem>> -> memref<1x8x1024xi32, #tpu.memory_space<vmem>>
    %dma_start3A_63 = tpu.memref_squeeze %dma_start3A_62 : memref<1x8x1024xi32, #tpu.memory_space<vmem>> -> memref<8x1024xi32, #tpu.memory_space<vmem>>
    %dma_start3A_64 = arith.constant 1024 : i32
    %dma_start3A_65 = tpu.memref_slice %arg2[%mul3A_58, %dma_start3A_64] : memref<64x8192xi32, #tpu.memory_space<hbm>> -> memref<8x1024xi32, #tpu.memory_space<hbm>>
    %dma_start3A_66 = arith.constant 0 : i32
    %dma_start3A_67 = arith.constant 0 : i32
    %dma_start3A_68 = tpu.memref_slice %arg6[%dma_start3A_59, %dma_start3A_66, %dma_start3A_67] : memref<2x8x1024xi32, #tpu.memory_space<vmem>> -> memref<1x8x1024xi32, #tpu.memory_space<vmem>>
    %dma_start3A_69 = tpu.memref_squeeze %dma_start3A_68 : memref<1x8x1024xi32, #tpu.memory_space<vmem>> -> memref<8x1024xi32, #tpu.memory_space<vmem>>
    %dma_start3A_70 = arith.constant 1024 : i32
    %dma_start3A_71 = tpu.memref_slice %arg2[%mul3A_58, %dma_start3A_70] : memref<64x8192xi32, #tpu.memory_space<hbm>> -> memref<8x1024xi32, #tpu.memory_space<hbm>>
    tpu.enqueue_dma source(%dma_start3A_71 : memref<8x1024xi32, #tpu.memory_space<hbm>>) target(%dma_start3A_69 : memref<8x1024xi32, #tpu.memory_space<vmem>>) target_semaphore(%arg10 : memref<!tpu.dma_semaphore, #tpu.memory_space<semaphore_mem>>)
    %dma_wait3A = tpu.memref_slice %arg3[%mul3A_32] : memref<1048576xf32, #tpu.memory_space<hbm>> -> memref<65536xf32, #tpu.memory_space<hbm>>
    %dma_wait3A_72 = tpu.memref_slice %arg3[%mul3A_32] : memref<1048576xf32, #tpu.memory_space<hbm>> -> memref<65536xf32, #tpu.memory_space<hbm>>
    tpu.wait_dma2 semaphore(%arg8 : memref<!tpu.dma_semaphore, #tpu.memory_space<semaphore_mem>>) src(%dma_wait3A_72 : memref<65536xf32, #tpu.memory_space<hbm>>) dst(%arg5 : memref<65536xf32, #tpu.memory_space<vmem>>)
    %scan3A = arith.constant 0 : i32
    %scan3A_73 = arith.constant 0 : i32
    %scan3A_74 = arith.constant 16 : i32
    %scan3A_75 = arith.addi %scan3A_73, %scan3A_74 : i32
    %scan3A_76 = arith.constant 1 : i32
    scf.for %scan3A_120 = %scan3A_73 to %scan3A_75 step %scan3A_76  : i32 {
      %mul3A_121 = arith.constant 2 : i32
      %mul3A_122 = arith.muli %scan3A_120, %mul3A_121 : i32
      %add3A_123 = arith.constant 0 : i32
      %add3A_124 = arith.addi %mul3A_122, %add3A_123 : i32
      %mul3A_125 = arith.constant 4 : i32
      %mul3A_126 = arith.muli %select_n3A_30, %mul3A_125 : i32
      %jit3A_127 = arith.constant 8 : i32
      %div3A_128 = arith.divsi %add3A_124, %jit3A_127 : i32
      %sign3A_129 = arith.constant 0 : i32
      %sign3A_130 = arith.cmpi sgt, %add3A_124, %sign3A_129 : i32
      %sign3A_131 = arith.extui %sign3A_130 : i1 to i32
      %sign3A_132 = arith.constant 0 : i32
      %sign3A_133 = arith.cmpi slt, %add3A_124, %sign3A_132 : i32
      %sign3A_134 = arith.extui %sign3A_133 : i1 to i32
      %sign3A_135 = arith.subi %sign3A_131, %sign3A_134 : i32
      %sign3A_136 = arith.constant 0 : i32
      %sign3A_137 = arith.cmpi sgt, %jit3A_127, %sign3A_136 : i32
      %sign3A_138 = arith.extui %sign3A_137 : i1 to i32
      %sign3A_139 = arith.constant 0 : i32
      %sign3A_140 = arith.cmpi slt, %jit3A_127, %sign3A_139 : i32
      %sign3A_141 = arith.extui %sign3A_140 : i1 to i32
      %sign3A_142 = arith.subi %sign3A_138, %sign3A_141 : i32
      %ne3A_143 = arith.cmpi ne, %sign3A_135, %sign3A_142 : i32
      %rem3A_144 = arith.remsi %add3A_124, %jit3A_127 : i32
      %ne3A_145 = arith.constant 0 : i32
      %ne3A_146 = arith.cmpi ne, %rem3A_144, %ne3A_145 : i32
      %and3A_147 = arith.andi %ne3A_143, %ne3A_146 : i1
      %sub3A_148 = arith.constant 1 : i32
      %sub3A_149 = arith.subi %div3A_128, %sub3A_148 : i32
      %select_n3A_150 = arith.select %and3A_147, %sub3A_149, %div3A_128 : i32
      %add3A_151 = arith.addi %mul3A_126, %select_n3A_150 : i32
      %jit3A_152 = arith.constant 8 : i32
      %eq3A_153 = arith.constant 0 : i32
      %eq3A_154 = arith.cmpi eq, %jit3A_152, %eq3A_153 : i32
      %jit3A_155 = arith.constant 1 : i32
      %select_n3A_156 = arith.select %eq3A_154, %jit3A_155, %jit3A_152 : i32
      %rem3A_157 = arith.remsi %add3A_124, %select_n3A_156 : i32
      %ne3A_158 = arith.constant 0 : i32
      %ne3A_159 = arith.cmpi ne, %rem3A_157, %ne3A_158 : i32
      %lt3A_160 = arith.constant 0 : i32
      %lt3A_161 = arith.cmpi slt, %rem3A_157, %lt3A_160 : i32
      %lt3A_162 = arith.constant 0 : i32
      %lt3A_163 = arith.cmpi slt, %select_n3A_156, %lt3A_162 : i32
      %ne3A_164 = arith.xori %lt3A_161, %lt3A_163 : i1
      %and3A_165 = arith.andi %ne3A_164, %ne3A_159 : i1
      %add3A_166 = arith.addi %rem3A_157, %select_n3A_156 : i32
      %select_n3A_167 = arith.select %and3A_165, %add3A_166, %rem3A_157 : i32
      %mul3A_168 = arith.constant 1024 : i32
      %mul3A_169 = arith.muli %select_n3A_167, %mul3A_168 : i32
      %mul3A_170 = arith.constant 8 : i32
      %mul3A_171 = arith.muli %add3A_151, %mul3A_170 : i32
      %dma_wait3A_172 = arith.constant 0 : i32
      %dma_wait3A_173 = arith.constant 0 : i32
      %dma_wait3A_174 = arith.constant 0 : i32
      %dma_wait3A_175 = tpu.memref_slice %arg6[%dma_wait3A_172, %dma_wait3A_173, %dma_wait3A_174] : memref<2x8x1024xi32, #tpu.memory_space<vmem>> -> memref<1x8x1024xi32, #tpu.memory_space<vmem>>
      %dma_wait3A_176 = tpu.memref_squeeze %dma_wait3A_175 : memref<1x8x1024xi32, #tpu.memory_space<vmem>> -> memref<8x1024xi32, #tpu.memory_space<vmem>>
      %dma_wait3A_177 = tpu.memref_slice %arg2[%mul3A_171, %mul3A_169] : memref<64x8192xi32, #tpu.memory_space<hbm>> -> memref<8x1024xi32, #tpu.memory_space<hbm>>
      %dma_wait3A_178 = arith.constant 0 : i32
      %dma_wait3A_179 = arith.constant 0 : i32
      %dma_wait3A_180 = tpu.memref_slice %arg6[%dma_wait3A_172, %dma_wait3A_178, %dma_wait3A_179] : memref<2x8x1024xi32, #tpu.memory_space<vmem>> -> memref<1x8x1024xi32, #tpu.memory_space<vmem>>
      %dma_wait3A_181 = tpu.memref_squeeze %dma_wait3A_180 : memref<1x8x1024xi32, #tpu.memory_space<vmem>> -> memref<8x1024xi32, #tpu.memory_space<vmem>>
      %dma_wait3A_182 = tpu.memref_slice %arg2[%mul3A_171, %mul3A_169] : memref<64x8192xi32, #tpu.memory_space<hbm>> -> memref<8x1024xi32, #tpu.memory_space<hbm>>
      tpu.wait_dma2 semaphore(%arg9 : memref<!tpu.dma_semaphore, #tpu.memory_space<semaphore_mem>>) src(%dma_wait3A_182 : memref<8x1024xi32, #tpu.memory_space<hbm>>) dst(%dma_wait3A_181 : memref<8x1024xi32, #tpu.memory_space<vmem>>)
      %ge3A = arith.constant 2 : i32
      %ge3A_183 = arith.cmpi sge, %add3A_124, %ge3A : i32
      %convert_element_type3A = arith.extui %ge3A_183 : i1 to i32
      %cond3A = arith.constant 0 : i32
      %cond3A_184 = arith.cmpi ne, %convert_element_type3A, %cond3A : i32
      scf.if %cond3A_184 {
        %sub3A_391 = arith.constant 2 : i32
        %sub3A_392 = arith.subi %add3A_124, %sub3A_391 : i32
        %mul3A_393 = arith.constant 4 : i32
        %mul3A_394 = arith.muli %select_n3A_30, %mul3A_393 : i32
        %jit3A_395 = arith.constant 8 : i32
        %div3A_396 = arith.divsi %sub3A_392, %jit3A_395 : i32
        %sign3A_397 = arith.constant 0 : i32
        %sign3A_398 = arith.cmpi sgt, %sub3A_392, %sign3A_397 : i32
        %sign3A_399 = arith.extui %sign3A_398 : i1 to i32
        %sign3A_400 = arith.constant 0 : i32
        %sign3A_401 = arith.cmpi slt, %sub3A_392, %sign3A_400 : i32
        %sign3A_402 = arith.extui %sign3A_401 : i1 to i32
        %sign3A_403 = arith.subi %sign3A_399, %sign3A_402 : i32
        %sign3A_404 = arith.constant 0 : i32
        %sign3A_405 = arith.cmpi sgt, %jit3A_395, %sign3A_404 : i32
        %sign3A_406 = arith.extui %sign3A_405 : i1 to i32
        %sign3A_407 = arith.constant 0 : i32
        %sign3A_408 = arith.cmpi slt, %jit3A_395, %sign3A_407 : i32
        %sign3A_409 = arith.extui %sign3A_408 : i1 to i32
        %sign3A_410 = arith.subi %sign3A_406, %sign3A_409 : i32
        %ne3A_411 = arith.cmpi ne, %sign3A_403, %sign3A_410 : i32
        %rem3A_412 = arith.remsi %sub3A_392, %jit3A_395 : i32
        %ne3A_413 = arith.constant 0 : i32
        %ne3A_414 = arith.cmpi ne, %rem3A_412, %ne3A_413 : i32
        %and3A_415 = arith.andi %ne3A_411, %ne3A_414 : i1
        %sub3A_416 = arith.constant 1 : i32
        %sub3A_417 = arith.subi %div3A_396, %sub3A_416 : i32
        %select_n3A_418 = arith.select %and3A_415, %sub3A_417, %div3A_396 : i32
        %add3A_419 = arith.addi %mul3A_394, %select_n3A_418 : i32
        %jit3A_420 = arith.constant 8 : i32
        %eq3A_421 = arith.constant 0 : i32
        %eq3A_422 = arith.cmpi eq, %jit3A_420, %eq3A_421 : i32
        %jit3A_423 = arith.constant 1 : i32
        %select_n3A_424 = arith.select %eq3A_422, %jit3A_423, %jit3A_420 : i32
        %rem3A_425 = arith.remsi %sub3A_392, %select_n3A_424 : i32
        %ne3A_426 = arith.constant 0 : i32
        %ne3A_427 = arith.cmpi ne, %rem3A_425, %ne3A_426 : i32
        %lt3A_428 = arith.constant 0 : i32
        %lt3A_429 = arith.cmpi slt, %rem3A_425, %lt3A_428 : i32
        %lt3A_430 = arith.constant 0 : i32
        %lt3A_431 = arith.cmpi slt, %select_n3A_424, %lt3A_430 : i32
        %ne3A_432 = arith.xori %lt3A_429, %lt3A_431 : i1
        %and3A_433 = arith.andi %ne3A_432, %ne3A_427 : i1
        %add3A_434 = arith.addi %rem3A_425, %select_n3A_424 : i32
        %select_n3A_435 = arith.select %and3A_433, %add3A_434, %rem3A_425 : i32
        %mul3A_436 = arith.constant 1024 : i32
        %mul3A_437 = arith.muli %select_n3A_435, %mul3A_436 : i32
        %mul3A_438 = arith.constant 8 : i32
        %mul3A_439 = arith.muli %add3A_419, %mul3A_438 : i32
        %dma_wait3A_440 = arith.constant 0 : i32
        %dma_wait3A_441 = arith.constant 0 : i32
        %dma_wait3A_442 = arith.constant 0 : i32
        %dma_wait3A_443 = tpu.memref_slice %arg7[%dma_wait3A_440, %dma_wait3A_441, %dma_wait3A_442] : memref<2x8x1024xf32, #tpu.memory_space<vmem>> -> memref<1x8x1024xf32, #tpu.memory_space<vmem>>
        %dma_wait3A_444 = tpu.memref_squeeze %dma_wait3A_443 : memref<1x8x1024xf32, #tpu.memory_space<vmem>> -> memref<8x1024xf32, #tpu.memory_space<vmem>>
        %dma_wait3A_445 = tpu.memref_slice %arg4[%select_n3A, %mul3A_439, %mul3A_437] : memref<16x64x8192xf32, #tpu.memory_space<hbm>> -> memref<1x8x1024xf32, #tpu.memory_space<hbm>>
        %dma_wait3A_446 = tpu.memref_squeeze %dma_wait3A_445 : memref<1x8x1024xf32, #tpu.memory_space<hbm>> -> memref<8x1024xf32, #tpu.memory_space<hbm>>
        %dma_wait3A_447 = tpu.memref_slice %arg4[%select_n3A, %mul3A_439, %mul3A_437] : memref<16x64x8192xf32, #tpu.memory_space<hbm>> -> memref<1x8x1024xf32, #tpu.memory_space<hbm>>
        %dma_wait3A_448 = tpu.memref_squeeze %dma_wait3A_447 : memref<1x8x1024xf32, #tpu.memory_space<hbm>> -> memref<8x1024xf32, #tpu.memory_space<hbm>>
        %dma_wait3A_449 = arith.constant 0 : i32
        %dma_wait3A_450 = arith.constant 0 : i32
        %dma_wait3A_451 = tpu.memref_slice %arg7[%dma_wait3A_440, %dma_wait3A_449, %dma_wait3A_450] : memref<2x8x1024xf32, #tpu.memory_space<vmem>> -> memref<1x8x1024xf32, #tpu.memory_space<vmem>>
        %dma_wait3A_452 = tpu.memref_squeeze %dma_wait3A_451 : memref<1x8x1024xf32, #tpu.memory_space<vmem>> -> memref<8x1024xf32, #tpu.memory_space<vmem>>
        tpu.wait_dma2 semaphore(%arg11 : memref<!tpu.dma_semaphore, #tpu.memory_space<semaphore_mem>>) src(%dma_wait3A_452 : memref<8x1024xf32, #tpu.memory_space<vmem>>) dst(%dma_wait3A_448 : memref<8x1024xf32, #tpu.memory_space<hbm>>)
      } else {
      }
      %parallel_loop3A = arith.constant 0 : i32
      %parallel_loop3A_185 = arith.constant 1024 : i32
      %parallel_loop3A_186 = arith.constant 16 : i32
      scf.for %parallel_loop3A_391 = %parallel_loop3A to %parallel_loop3A_185 step %parallel_loop3A_186  : i32 {
        %parallel_loop3A_392 = arith.constant 0 : i32
        %parallel_loop3A_393 = arith.constant 0 : i32
        %parallel_loop3A_394 = arith.index_cast %parallel_loop3A_392 : i32 to index
        %parallel_loop3A_395 = arith.index_cast %parallel_loop3A_393 : i32 to index
        %parallel_loop3A_396 = arith.index_cast %parallel_loop3A_391 : i32 to index
        %parallel_loop3A_397 = tpu.vector_load %arg6[%parallel_loop3A_394, %parallel_loop3A_395, %parallel_loop3A_396] {strides = array<i32>} : memref<2x8x1024xi32, #tpu.memory_space<vmem>>, vector<16xi32>,
        %parallel_loop3A_398 = tpu.vector_load_idx %arg5[%parallel_loop3A_397] : memref<65536xf32, #tpu.memory_space<vmem>>[vector<16xi32>], vector<16xf32>,
        %parallel_loop3A_399 = arith.constant 0 : i32
        %parallel_loop3A_400 = arith.constant 0 : i32
        %parallel_loop3A_401 = arith.index_cast %parallel_loop3A_399 : i32 to index
        %parallel_loop3A_402 = arith.index_cast %parallel_loop3A_400 : i32 to index
        %parallel_loop3A_403 = arith.index_cast %parallel_loop3A_391 : i32 to index
        %parallel_loop3A_404 = tpu.vector_load %arg7[%parallel_loop3A_401, %parallel_loop3A_402, %parallel_loop3A_403] {strides = array<i32>} : memref<2x8x1024xf32, #tpu.memory_space<vmem>>, vector<16xf32>,
        tpu.vector_store %arg7[%parallel_loop3A_401, %parallel_loop3A_402, %parallel_loop3A_403], %parallel_loop3A_398 {strides = array<i32>} : memref<2x8x1024xf32, #tpu.memory_space<vmem>>, vector<16xf32>,
        %parallel_loop3A_405 = arith.constant 0 : i32
        %parallel_loop3A_406 = arith.constant 1 : i32
        %parallel_loop3A_407 = arith.index_cast %parallel_loop3A_405 : i32 to index
        %parallel_loop3A_408 = arith.index_cast %parallel_loop3A_406 : i32 to index
        %parallel_loop3A_409 = arith.index_cast %parallel_loop3A_391 : i32 to index
        %parallel_loop3A_410 = tpu.vector_load %arg6[%parallel_loop3A_407, %parallel_loop3A_408, %parallel_loop3A_409] {strides = array<i32>} : memref<2x8x1024xi32, #tpu.memory_space<vmem>>, vector<16xi32>,
        %parallel_loop3A_411 = tpu.vector_load_idx %arg5[%parallel_loop3A_410] : memref<65536xf32, #tpu.memory_space<vmem>>[vector<16xi32>], vector<16xf32>,
        %parallel_loop3A_412 = arith.constant 0 : i32
        %parallel_loop3A_413 = arith.constant 1 : i32
        %parallel_loop3A_414 = arith.index_cast %parallel_loop3A_412 : i32 to index
        %parallel_loop3A_415 = arith.index_cast %parallel_loop3A_413 : i32 to index
        %parallel_loop3A_416 = arith.index_cast %parallel_loop3A_391 : i32 to index
        %parallel_loop3A_417 = tpu.vector_load %arg7[%parallel_loop3A_414, %parallel_loop3A_415, %parallel_loop3A_416] {strides = array<i32>} : memref<2x8x1024xf32, #tpu.memory_space<vmem>>, vector<16xf32>,
        tpu.vector_store %arg7[%parallel_loop3A_414, %parallel_loop3A_415, %parallel_loop3A_416], %parallel_loop3A_411 {strides = array<i32>} : memref<2x8x1024xf32, #tpu.memory_space<vmem>>, vector<16xf32>,
        %parallel_loop3A_418 = arith.constant 0 : i32
        %parallel_loop3A_419 = arith.constant 2 : i32
        %parallel_loop3A_420 = arith.index_cast %parallel_loop3A_418 : i32 to index
        %parallel_loop3A_421 = arith.index_cast %parallel_loop3A_419 : i32 to index
        %parallel_loop3A_422 = arith.index_cast %parallel_loop3A_391 : i32 to index
        %parallel_loop3A_423 = tpu.vector_load %arg6[%parallel_loop3A_420, %parallel_loop3A_421, %parallel_loop3A_422] {strides = array<i32>} : memref<2x8x1024xi32, #tpu.memory_space<vmem>>, vector<16xi32>,
        %parallel_loop3A_424 = tpu.vector_load_idx %arg5[%parallel_loop3A_423] : memref<65536xf32, #tpu.memory_space<vmem>>[vector<16xi32>], vector<16xf32>,
        %parallel_loop3A_425 = arith.constant 0 : i32
        %parallel_loop3A_426 = arith.constant 2 : i32
        %parallel_loop3A_427 = arith.index_cast %parallel_loop3A_425 : i32 to index
        %parallel_loop3A_428 = arith.index_cast %parallel_loop3A_426 : i32 to index
        %parallel_loop3A_429 = arith.index_cast %parallel_loop3A_391 : i32 to index
        %parallel_loop3A_430 = tpu.vector_load %arg7[%parallel_loop3A_427, %parallel_loop3A_428, %parallel_loop3A_429] {strides = array<i32>} : memref<2x8x1024xf32, #tpu.memory_space<vmem>>, vector<16xf32>,
        tpu.vector_store %arg7[%parallel_loop3A_427, %parallel_loop3A_428, %parallel_loop3A_429], %parallel_loop3A_424 {strides = array<i32>} : memref<2x8x1024xf32, #tpu.memory_space<vmem>>, vector<16xf32>,
        %parallel_loop3A_431 = arith.constant 0 : i32
        %parallel_loop3A_432 = arith.constant 3 : i32
        %parallel_loop3A_433 = arith.index_cast %parallel_loop3A_431 : i32 to index
        %parallel_loop3A_434 = arith.index_cast %parallel_loop3A_432 : i32 to index
        %parallel_loop3A_435 = arith.index_cast %parallel_loop3A_391 : i32 to index
        %parallel_loop3A_436 = tpu.vector_load %arg6[%parallel_loop3A_433, %parallel_loop3A_434, %parallel_loop3A_435] {strides = array<i32>} : memref<2x8x1024xi32, #tpu.memory_space<vmem>>, vector<16xi32>,
        %parallel_loop3A_437 = tpu.vector_load_idx %arg5[%parallel_loop3A_436] : memref<65536xf32, #tpu.memory_space<vmem>>[vector<16xi32>], vector<16xf32>,
        %parallel_loop3A_438 = arith.constant 0 : i32
        %parallel_loop3A_439 = arith.constant 3 : i32
        %parallel_loop3A_440 = arith.index_cast %parallel_loop3A_438 : i32 to index
        %parallel_loop3A_441 = arith.index_cast %parallel_loop3A_439 : i32 to index
        %parallel_loop3A_442 = arith.index_cast %parallel_loop3A_391 : i32 to index
        %parallel_loop3A_443 = tpu.vector_load %arg7[%parallel_loop3A_440, %parallel_loop3A_441, %parallel_loop3A_442] {strides = array<i32>} : memref<2x8x1024xf32, #tpu.memory_space<vmem>>, vector<16xf32>,
        tpu.vector_store %arg7[%parallel_loop3A_440, %parallel_loop3A_441, %parallel_loop3A_442], %parallel_loop3A_437 {strides = array<i32>} : memref<2x8x1024xf32, #tpu.memory_space<vmem>>, vector<16xf32>,
        %parallel_loop3A_444 = arith.constant 0 : i32
        %parallel_loop3A_445 = arith.constant 4 : i32
        %parallel_loop3A_446 = arith.index_cast %parallel_loop3A_444 : i32 to index
        %parallel_loop3A_447 = arith.index_cast %parallel_loop3A_445 : i32 to index
        %parallel_loop3A_448 = arith.index_cast %parallel_loop3A_391 : i32 to index
        %parallel_loop3A_449 = tpu.vector_load %arg6[%parallel_loop3A_446, %parallel_loop3A_447, %parallel_loop3A_448] {strides = array<i32>} : memref<2x8x1024xi32, #tpu.memory_space<vmem>>, vector<16xi32>,
        %parallel_loop3A_450 = tpu.vector_load_idx %arg5[%parallel_loop3A_449] : memref<65536xf32, #tpu.memory_space<vmem>>[vector<16xi32>], vector<16xf32>,
        %parallel_loop3A_451 = arith.constant 0 : i32
        %parallel_loop3A_452 = arith.constant 4 : i32
        %parallel_loop3A_453 = arith.index_cast %parallel_loop3A_451 : i32 to index
        %parallel_loop3A_454 = arith.index_cast %parallel_loop3A_452 : i32 to index
        %parallel_loop3A_455 = arith.index_cast %parallel_loop3A_391 : i32 to index
        %parallel_loop3A_456 = tpu.vector_load %arg7[%parallel_loop3A_453, %parallel_loop3A_454, %parallel_loop3A_455] {strides = array<i32>} : memref<2x8x1024xf32, #tpu.memory_space<vmem>>, vector<16xf32>,
        tpu.vector_store %arg7[%parallel_loop3A_453, %parallel_loop3A_454, %parallel_loop3A_455], %parallel_loop3A_450 {strides = array<i32>} : memref<2x8x1024xf32, #tpu.memory_space<vmem>>, vector<16xf32>,
        %parallel_loop3A_457 = arith.constant 0 : i32
        %parallel_loop3A_458 = arith.constant 5 : i32
        %parallel_loop3A_459 = arith.index_cast %parallel_loop3A_457 : i32 to index
        %parallel_loop3A_460 = arith.index_cast %parallel_loop3A_458 : i32 to index
        %parallel_loop3A_461 = arith.index_cast %parallel_loop3A_391 : i32 to index
        %parallel_loop3A_462 = tpu.vector_load %arg6[%parallel_loop3A_459, %parallel_loop3A_460, %parallel_loop3A_461] {strides = array<i32>} : memref<2x8x1024xi32, #tpu.memory_space<vmem>>, vector<16xi32>,
        %parallel_loop3A_463 = tpu.vector_load_idx %arg5[%parallel_loop3A_462] : memref<65536xf32, #tpu.memory_space<vmem>>[vector<16xi32>], vector<16xf32>,
        %parallel_loop3A_464 = arith.constant 0 : i32
        %parallel_loop3A_465 = arith.constant 5 : i32
        %parallel_loop3A_466 = arith.index_cast %parallel_loop3A_464 : i32 to index
        %parallel_loop3A_467 = arith.index_cast %parallel_loop3A_465 : i32 to index
        %parallel_loop3A_468 = arith.index_cast %parallel_loop3A_391 : i32 to index
        %parallel_loop3A_469 = tpu.vector_load %arg7[%parallel_loop3A_466, %parallel_loop3A_467, %parallel_loop3A_468] {strides = array<i32>} : memref<2x8x1024xf32, #tpu.memory_space<vmem>>, vector<16xf32>,
        tpu.vector_store %arg7[%parallel_loop3A_466, %parallel_loop3A_467, %parallel_loop3A_468], %parallel_loop3A_463 {strides = array<i32>} : memref<2x8x1024xf32, #tpu.memory_space<vmem>>, vector<16xf32>,
        %parallel_loop3A_470 = arith.constant 0 : i32
        %parallel_loop3A_471 = arith.constant 6 : i32
        %parallel_loop3A_472 = arith.index_cast %parallel_loop3A_470 : i32 to index
        %parallel_loop3A_473 = arith.index_cast %parallel_loop3A_471 : i32 to index
        %parallel_loop3A_474 = arith.index_cast %parallel_loop3A_391 : i32 to index
        %parallel_loop3A_475 = tpu.vector_load %arg6[%parallel_loop3A_472, %parallel_loop3A_473, %parallel_loop3A_474] {strides = array<i32>} : memref<2x8x1024xi32, #tpu.memory_space<vmem>>, vector<16xi32>,
        %parallel_loop3A_476 = tpu.vector_load_idx %arg5[%parallel_loop3A_475] : memref<65536xf32, #tpu.memory_space<vmem>>[vector<16xi32>], vector<16xf32>,
        %parallel_loop3A_477 = arith.constant 0 : i32
        %parallel_loop3A_478 = arith.constant 6 : i32
        %parallel_loop3A_479 = arith.index_cast %parallel_loop3A_477 : i32 to index
        %parallel_loop3A_480 = arith.index_cast %parallel_loop3A_478 : i32 to index
        %parallel_loop3A_481 = arith.index_cast %parallel_loop3A_391 : i32 to index
        %parallel_loop3A_482 = tpu.vector_load %arg7[%parallel_loop3A_479, %parallel_loop3A_480, %parallel_loop3A_481] {strides = array<i32>} : memref<2x8x1024xf32, #tpu.memory_space<vmem>>, vector<16xf32>,
        tpu.vector_store %arg7[%parallel_loop3A_479, %parallel_loop3A_480, %parallel_loop3A_481], %parallel_loop3A_476 {strides = array<i32>} : memref<2x8x1024xf32, #tpu.memory_space<vmem>>, vector<16xf32>,
        %parallel_loop3A_483 = arith.constant 0 : i32
        %parallel_loop3A_484 = arith.constant 7 : i32
        %parallel_loop3A_485 = arith.index_cast %parallel_loop3A_483 : i32 to index
        %parallel_loop3A_486 = arith.index_cast %parallel_loop3A_484 : i32 to index
        %parallel_loop3A_487 = arith.index_cast %parallel_loop3A_391 : i32 to index
        %parallel_loop3A_488 = tpu.vector_load %arg6[%parallel_loop3A_485, %parallel_loop3A_486, %parallel_loop3A_487] {strides = array<i32>} : memref<2x8x1024xi32, #tpu.memory_space<vmem>>, vector<16xi32>,
        %parallel_loop3A_489 = tpu.vector_load_idx %arg5[%parallel_loop3A_488] : memref<65536xf32, #tpu.memory_space<vmem>>[vector<16xi32>], vector<16xf32>,
        %parallel_loop3A_490 = arith.constant 0 : i32
        %parallel_loop3A_491 = arith.constant 7 : i32
        %parallel_loop3A_492 = arith.index_cast %parallel_loop3A_490 : i32 to index
        %parallel_loop3A_493 = arith.index_cast %parallel_loop3A_491 : i32 to index
        %parallel_loop3A_494 = arith.index_cast %parallel_loop3A_391 : i32 to index
        %parallel_loop3A_495 = tpu.vector_load %arg7[%parallel_loop3A_492, %parallel_loop3A_493, %parallel_loop3A_494] {strides = array<i32>} : memref<2x8x1024xf32, #tpu.memory_space<vmem>>, vector<16xf32>,
        tpu.vector_store %arg7[%parallel_loop3A_492, %parallel_loop3A_493, %parallel_loop3A_494], %parallel_loop3A_489 {strides = array<i32>} : memref<2x8x1024xf32, #tpu.memory_space<vmem>>, vector<16xf32>,
      } {sc.loop_unroll_factor = 2 : i64, sc.parallel_access}
      %mul3A_187 = arith.constant 4 : i32
      %mul3A_188 = arith.muli %select_n3A_30, %mul3A_187 : i32
      %jit3A_189 = arith.constant 8 : i32
      %div3A_190 = arith.divsi %add3A_124, %jit3A_189 : i32
      %sign3A_191 = arith.constant 0 : i32
      %sign3A_192 = arith.cmpi sgt, %add3A_124, %sign3A_191 : i32
      %sign3A_193 = arith.extui %sign3A_192 : i1 to i32
      %sign3A_194 = arith.constant 0 : i32
      %sign3A_195 = arith.cmpi slt, %add3A_124, %sign3A_194 : i32
      %sign3A_196 = arith.extui %sign3A_195 : i1 to i32
      %sign3A_197 = arith.subi %sign3A_193, %sign3A_196 : i32
      %sign3A_198 = arith.constant 0 : i32
      %sign3A_199 = arith.cmpi sgt, %jit3A_189, %sign3A_198 : i32
      %sign3A_200 = arith.extui %sign3A_199 : i1 to i32
      %sign3A_201 = arith.constant 0 : i32
      %sign3A_202 = arith.cmpi slt, %jit3A_189, %sign3A_201 : i32
      %sign3A_203 = arith.extui %sign3A_202 : i1 to i32
      %sign3A_204 = arith.subi %sign3A_200, %sign3A_203 : i32
      %ne3A_205 = arith.cmpi ne, %sign3A_197, %sign3A_204 : i32
      %rem3A_206 = arith.remsi %add3A_124, %jit3A_189 : i32
      %ne3A_207 = arith.constant 0 : i32
      %ne3A_208 = arith.cmpi ne, %rem3A_206, %ne3A_207 : i32
      %and3A_209 = arith.andi %ne3A_205, %ne3A_208 : i1
      %sub3A_210 = arith.constant 1 : i32
      %sub3A_211 = arith.subi %div3A_190, %sub3A_210 : i32
      %select_n3A_212 = arith.select %and3A_209, %sub3A_211, %div3A_190 : i32
      %add3A_213 = arith.addi %mul3A_188, %select_n3A_212 : i32
      %jit3A_214 = arith.constant 8 : i32
      %eq3A_215 = arith.constant 0 : i32
      %eq3A_216 = arith.cmpi eq, %jit3A_214, %eq3A_215 : i32
      %jit3A_217 = arith.constant 1 : i32
      %select_n3A_218 = arith.select %eq3A_216, %jit3A_217, %jit3A_214 : i32
      %rem3A_219 = arith.remsi %add3A_124, %select_n3A_218 : i32
      %ne3A_220 = arith.constant 0 : i32
      %ne3A_221 = arith.cmpi ne, %rem3A_219, %ne3A_220 : i32
      %lt3A_222 = arith.constant 0 : i32
      %lt3A_223 = arith.cmpi slt, %rem3A_219, %lt3A_222 : i32
      %lt3A_224 = arith.constant 0 : i32
      %lt3A_225 = arith.cmpi slt, %select_n3A_218, %lt3A_224 : i32
      %ne3A_226 = arith.xori %lt3A_223, %lt3A_225 : i1
      %and3A_227 = arith.andi %ne3A_226, %ne3A_221 : i1
      %add3A_228 = arith.addi %rem3A_219, %select_n3A_218 : i32
      %select_n3A_229 = arith.select %and3A_227, %add3A_228, %rem3A_219 : i32
      %mul3A_230 = arith.constant 1024 : i32
      %mul3A_231 = arith.muli %select_n3A_229, %mul3A_230 : i32
      %mul3A_232 = arith.constant 8 : i32
      %mul3A_233 = arith.muli %add3A_213, %mul3A_232 : i32
      %dma_start3A_234 = arith.constant 0 : i32
      %dma_start3A_235 = arith.constant 0 : i32
      %dma_start3A_236 = arith.constant 0 : i32
      %dma_start3A_237 = tpu.memref_slice %arg7[%dma_start3A_234, %dma_start3A_235, %dma_start3A_236] : memref<2x8x1024xf32, #tpu.memory_space<vmem>> -> memref<1x8x1024xf32, #tpu.memory_space<vmem>>
      %dma_start3A_238 = tpu.memref_squeeze %dma_start3A_237 : memref<1x8x1024xf32, #tpu.memory_space<vmem>> -> memref<8x1024xf32, #tpu.memory_space<vmem>>
      %dma_start3A_239 = tpu.memref_slice %arg4[%select_n3A, %mul3A_233, %mul3A_231] : memref<16x64x8192xf32, #tpu.memory_space<hbm>> -> memref<1x8x1024xf32, #tpu.memory_space<hbm>>
      %dma_start3A_240 = tpu.memref_squeeze %dma_start3A_239 : memref<1x8x1024xf32, #tpu.memory_space<hbm>> -> memref<8x1024xf32, #tpu.memory_space<hbm>>
      %dma_start3A_241 = tpu.memref_slice %arg4[%select_n3A, %mul3A_233, %mul3A_231] : memref<16x64x8192xf32, #tpu.memory_space<hbm>> -> memref<1x8x1024xf32, #tpu.memory_space<hbm>>
      %dma_start3A_242 = tpu.memref_squeeze %dma_start3A_241 : memref<1x8x1024xf32, #tpu.memory_space<hbm>> -> memref<8x1024xf32, #tpu.memory_space<hbm>>
      %dma_start3A_243 = arith.constant 0 : i32
      %dma_start3A_244 = arith.constant 0 : i32
      %dma_start3A_245 = tpu.memref_slice %arg7[%dma_start3A_234, %dma_start3A_243, %dma_start3A_244] : memref<2x8x1024xf32, #tpu.memory_space<vmem>> -> memref<1x8x1024xf32, #tpu.memory_space<vmem>>
      %dma_start3A_246 = tpu.memref_squeeze %dma_start3A_245 : memref<1x8x1024xf32, #tpu.memory_space<vmem>> -> memref<8x1024xf32, #tpu.memory_space<vmem>>
      tpu.enqueue_dma source(%dma_start3A_246 : memref<8x1024xf32, #tpu.memory_space<vmem>>) target(%dma_start3A_242 : memref<8x1024xf32, #tpu.memory_space<hbm>>) target_semaphore(%arg11 : memref<!tpu.dma_semaphore, #tpu.memory_space<semaphore_mem>>)
      %add3A_247 = arith.constant 2 : i32
      %add3A_248 = arith.addi %add3A_124, %add3A_247 : i32
      %lt3A_249 = arith.constant 32 : i32
      %lt3A_250 = arith.cmpi slt, %add3A_248, %lt3A_249 : i32
      %convert_element_type3A_251 = arith.extui %lt3A_250 : i1 to i32
      %cond3A_252 = arith.constant 0 : i32
      %cond3A_253 = arith.cmpi ne, %convert_element_type3A_251, %cond3A_252 : i32
      scf.if %cond3A_253 {
        %add3A_391 = arith.constant 2 : i32
        %add3A_392 = arith.addi %add3A_124, %add3A_391 : i32
        %mul3A_393 = arith.constant 4 : i32
        %mul3A_394 = arith.muli %select_n3A_30, %mul3A_393 : i32
        %jit3A_395 = arith.constant 8 : i32
        %div3A_396 = arith.divsi %add3A_392, %jit3A_395 : i32
        %sign3A_397 = arith.constant 0 : i32
        %sign3A_398 = arith.cmpi sgt, %add3A_392, %sign3A_397 : i32
        %sign3A_399 = arith.extui %sign3A_398 : i1 to i32
        %sign3A_400 = arith.constant 0 : i32
        %sign3A_401 = arith.cmpi slt, %add3A_392, %sign3A_400 : i32
        %sign3A_402 = arith.extui %sign3A_401 : i1 to i32
        %sign3A_403 = arith.subi %sign3A_399, %sign3A_402 : i32
        %sign3A_404 = arith.constant 0 : i32
        %sign3A_405 = arith.cmpi sgt, %jit3A_395, %sign3A_404 : i32
        %sign3A_406 = arith.extui %sign3A_405 : i1 to i32
        %sign3A_407 = arith.constant 0 : i32
        %sign3A_408 = arith.cmpi slt, %jit3A_395, %sign3A_407 : i32
        %sign3A_409 = arith.extui %sign3A_408 : i1 to i32
        %sign3A_410 = arith.subi %sign3A_406, %sign3A_409 : i32
        %ne3A_411 = arith.cmpi ne, %sign3A_403, %sign3A_410 : i32
        %rem3A_412 = arith.remsi %add3A_392, %jit3A_395 : i32
        %ne3A_413 = arith.constant 0 : i32
        %ne3A_414 = arith.cmpi ne, %rem3A_412, %ne3A_413 : i32
        %and3A_415 = arith.andi %ne3A_411, %ne3A_414 : i1
        %sub3A_416 = arith.constant 1 : i32
        %sub3A_417 = arith.subi %div3A_396, %sub3A_416 : i32
        %select_n3A_418 = arith.select %and3A_415, %sub3A_417, %div3A_396 : i32
        %add3A_419 = arith.addi %mul3A_394, %select_n3A_418 : i32
        %jit3A_420 = arith.constant 8 : i32
        %eq3A_421 = arith.constant 0 : i32
        %eq3A_422 = arith.cmpi eq, %jit3A_420, %eq3A_421 : i32
        %jit3A_423 = arith.constant 1 : i32
        %select_n3A_424 = arith.select %eq3A_422, %jit3A_423, %jit3A_420 : i32
        %rem3A_425 = arith.remsi %add3A_392, %select_n3A_424 : i32
        %ne3A_426 = arith.constant 0 : i32
        %ne3A_427 = arith.cmpi ne, %rem3A_425, %ne3A_426 : i32
        %lt3A_428 = arith.constant 0 : i32
        %lt3A_429 = arith.cmpi slt, %rem3A_425, %lt3A_428 : i32
        %lt3A_430 = arith.constant 0 : i32
        %lt3A_431 = arith.cmpi slt, %select_n3A_424, %lt3A_430 : i32
        %ne3A_432 = arith.xori %lt3A_429, %lt3A_431 : i1
        %and3A_433 = arith.andi %ne3A_432, %ne3A_427 : i1
        %add3A_434 = arith.addi %rem3A_425, %select_n3A_424 : i32
        %select_n3A_435 = arith.select %and3A_433, %add3A_434, %rem3A_425 : i32
        %mul3A_436 = arith.constant 1024 : i32
        %mul3A_437 = arith.muli %select_n3A_435, %mul3A_436 : i32
        %mul3A_438 = arith.constant 8 : i32
        %mul3A_439 = arith.muli %add3A_419, %mul3A_438 : i32
        %dma_start3A_440 = arith.constant 0 : i32
        %dma_start3A_441 = arith.constant 0 : i32
        %dma_start3A_442 = arith.constant 0 : i32
        %dma_start3A_443 = tpu.memref_slice %arg6[%dma_start3A_440, %dma_start3A_441, %dma_start3A_442] : memref<2x8x1024xi32, #tpu.memory_space<vmem>> -> memref<1x8x1024xi32, #tpu.memory_space<vmem>>
        %dma_start3A_444 = tpu.memref_squeeze %dma_start3A_443 : memref<1x8x1024xi32, #tpu.memory_space<vmem>> -> memref<8x1024xi32, #tpu.memory_space<vmem>>
        %dma_start3A_445 = tpu.memref_slice %arg2[%mul3A_439, %mul3A_437] : memref<64x8192xi32, #tpu.memory_space<hbm>> -> memref<8x1024xi32, #tpu.memory_space<hbm>>
        %dma_start3A_446 = arith.constant 0 : i32
        %dma_start3A_447 = arith.constant 0 : i32
        %dma_start3A_448 = tpu.memref_slice %arg6[%dma_start3A_440, %dma_start3A_446, %dma_start3A_447] : memref<2x8x1024xi32, #tpu.memory_space<vmem>> -> memref<1x8x1024xi32, #tpu.memory_space<vmem>>
        %dma_start3A_449 = tpu.memref_squeeze %dma_start3A_448 : memref<1x8x1024xi32, #tpu.memory_space<vmem>> -> memref<8x1024xi32, #tpu.memory_space<vmem>>
        %dma_start3A_450 = tpu.memref_slice %arg2[%mul3A_439, %mul3A_437] : memref<64x8192xi32, #tpu.memory_space<hbm>> -> memref<8x1024xi32, #tpu.memory_space<hbm>>
        tpu.enqueue_dma source(%dma_start3A_450 : memref<8x1024xi32, #tpu.memory_space<hbm>>) target(%dma_start3A_449 : memref<8x1024xi32, #tpu.memory_space<vmem>>) target_semaphore(%arg9 : memref<!tpu.dma_semaphore, #tpu.memory_space<semaphore_mem>>)
      } else {
      }
      %mul3A_254 = arith.constant 2 : i32
      %mul3A_255 = arith.muli %scan3A_120, %mul3A_254 : i32
      %add3A_256 = arith.constant 1 : i32
      %add3A_257 = arith.addi %mul3A_255, %add3A_256 : i32
      %mul3A_258 = arith.constant 4 : i32
      %mul3A_259 = arith.muli %select_n3A_30, %mul3A_258 : i32
      %jit3A_260 = arith.constant 8 : i32
      %div3A_261 = arith.divsi %add3A_257, %jit3A_260 : i32
      %sign3A_262 = arith.constant 0 : i32
      %sign3A_263 = arith.cmpi sgt, %add3A_257, %sign3A_262 : i32
      %sign3A_264 = arith.extui %sign3A_263 : i1 to i32
      %sign3A_265 = arith.constant 0 : i32
      %sign3A_266 = arith.cmpi slt, %add3A_257, %sign3A_265 : i32
      %sign3A_267 = arith.extui %sign3A_266 : i1 to i32
      %sign3A_268 = arith.subi %sign3A_264, %sign3A_267 : i32
      %sign3A_269 = arith.constant 0 : i32
      %sign3A_270 = arith.cmpi sgt, %jit3A_260, %sign3A_269 : i32
      %sign3A_271 = arith.extui %sign3A_270 : i1 to i32
      %sign3A_272 = arith.constant 0 : i32
      %sign3A_273 = arith.cmpi slt, %jit3A_260, %sign3A_272 : i32
      %sign3A_274 = arith.extui %sign3A_273 : i1 to i32
      %sign3A_275 = arith.subi %sign3A_271, %sign3A_274 : i32
      %ne3A_276 = arith.cmpi ne, %sign3A_268, %sign3A_275 : i32
      %rem3A_277 = arith.remsi %add3A_257, %jit3A_260 : i32
      %ne3A_278 = arith.constant 0 : i32
      %ne3A_279 = arith.cmpi ne, %rem3A_277, %ne3A_278 : i32
      %and3A_280 = arith.andi %ne3A_276, %ne3A_279 : i1
      %sub3A_281 = arith.constant 1 : i32
      %sub3A_282 = arith.subi %div3A_261, %sub3A_281 : i32
      %select_n3A_283 = arith.select %and3A_280, %sub3A_282, %div3A_261 : i32
      %add3A_284 = arith.addi %mul3A_259, %select_n3A_283 : i32
      %jit3A_285 = arith.constant 8 : i32
      %eq3A_286 = arith.constant 0 : i32
      %eq3A_287 = arith.cmpi eq, %jit3A_285, %eq3A_286 : i32
      %jit3A_288 = arith.constant 1 : i32
      %select_n3A_289 = arith.select %eq3A_287, %jit3A_288, %jit3A_285 : i32
      %rem3A_290 = arith.remsi %add3A_257, %select_n3A_289 : i32
      %ne3A_291 = arith.constant 0 : i32
      %ne3A_292 = arith.cmpi ne, %rem3A_290, %ne3A_291 : i32
      %lt3A_293 = arith.constant 0 : i32
      %lt3A_294 = arith.cmpi slt, %rem3A_290, %lt3A_293 : i32
      %lt3A_295 = arith.constant 0 : i32
      %lt3A_296 = arith.cmpi slt, %select_n3A_289, %lt3A_295 : i32
      %ne3A_297 = arith.xori %lt3A_294, %lt3A_296 : i1
      %and3A_298 = arith.andi %ne3A_297, %ne3A_292 : i1
      %add3A_299 = arith.addi %rem3A_290, %select_n3A_289 : i32
      %select_n3A_300 = arith.select %and3A_298, %add3A_299, %rem3A_290 : i32
      %mul3A_301 = arith.constant 1024 : i32
      %mul3A_302 = arith.muli %select_n3A_300, %mul3A_301 : i32
      %mul3A_303 = arith.constant 8 : i32
      %mul3A_304 = arith.muli %add3A_284, %mul3A_303 : i32
      %dma_wait3A_305 = arith.constant 1 : i32
      %dma_wait3A_306 = arith.constant 0 : i32
      %dma_wait3A_307 = arith.constant 0 : i32
      %dma_wait3A_308 = tpu.memref_slice %arg6[%dma_wait3A_305, %dma_wait3A_306, %dma_wait3A_307] : memref<2x8x1024xi32, #tpu.memory_space<vmem>> -> memref<1x8x1024xi32, #tpu.memory_space<vmem>>
      %dma_wait3A_309 = tpu.memref_squeeze %dma_wait3A_308 : memref<1x8x1024xi32, #tpu.memory_space<vmem>> -> memref<8x1024xi32, #tpu.memory_space<vmem>>
      %dma_wait3A_310 = tpu.memref_slice %arg2[%mul3A_304, %mul3A_302] : memref<64x8192xi32, #tpu.memory_space<hbm>> -> memref<8x1024xi32, #tpu.memory_space<hbm>>
      %dma_wait3A_311 = arith.constant 0 : i32
      %dma_wait3A_312 = arith.constant 0 : i32
      %dma_wait3A_313 = tpu.memref_slice %arg6[%dma_wait3A_305, %dma_wait3A_311, %dma_wait3A_312] : memref<2x8x1024xi32, #tpu.memory_space<vmem>> -> memref<1x8x1024xi32, #tpu.memory_space<vmem>>
      %dma_wait3A_314 = tpu.memref_squeeze %dma_wait3A_313 : memref<1x8x1024xi32, #tpu.memory_space<vmem>> -> memref<8x1024xi32, #tpu.memory_space<vmem>>
      %dma_wait3A_315 = tpu.memref_slice %arg2[%mul3A_304, %mul3A_302] : memref<64x8192xi32, #tpu.memory_space<hbm>> -> memref<8x1024xi32, #tpu.memory_space<hbm>>
      tpu.wait_dma2 semaphore(%arg10 : memref<!tpu.dma_semaphore, #tpu.memory_space<semaphore_mem>>) src(%dma_wait3A_315 : memref<8x1024xi32, #tpu.memory_space<hbm>>) dst(%dma_wait3A_314 : memref<8x1024xi32, #tpu.memory_space<vmem>>)
      %ge3A_316 = arith.constant 2 : i32
      %ge3A_317 = arith.cmpi sge, %add3A_257, %ge3A_316 : i32
      %convert_element_type3A_318 = arith.extui %ge3A_317 : i1 to i32
      %cond3A_319 = arith.constant 0 : i32
      %cond3A_320 = arith.cmpi ne, %convert_element_type3A_318, %cond3A_319 : i32
      scf.if %cond3A_320 {
        %sub3A_391 = arith.constant 2 : i32
        %sub3A_392 = arith.subi %add3A_257, %sub3A_391 : i32
        %mul3A_393 = arith.constant 4 : i32
        %mul3A_394 = arith.muli %select_n3A_30, %mul3A_393 : i32
        %jit3A_395 = arith.constant 8 : i32
        %div3A_396 = arith.divsi %sub3A_392, %jit3A_395 : i32
        %sign3A_397 = arith.constant 0 : i32
        %sign3A_398 = arith.cmpi sgt, %sub3A_392, %sign3A_397 : i32
        %sign3A_399 = arith.extui %sign3A_398 : i1 to i32
        %sign3A_400 = arith.constant 0 : i32
        %sign3A_401 = arith.cmpi slt, %sub3A_392, %sign3A_400 : i32
        %sign3A_402 = arith.extui %sign3A_401 : i1 to i32
        %sign3A_403 = arith.subi %sign3A_399, %sign3A_402 : i32
        %sign3A_404 = arith.constant 0 : i32
        %sign3A_405 = arith.cmpi sgt, %jit3A_395, %sign3A_404 : i32
        %sign3A_406 = arith.extui %sign3A_405 : i1 to i32
        %sign3A_407 = arith.constant 0 : i32
        %sign3A_408 = arith.cmpi slt, %jit3A_395, %sign3A_407 : i32
        %sign3A_409 = arith.extui %sign3A_408 : i1 to i32
        %sign3A_410 = arith.subi %sign3A_406, %sign3A_409 : i32
        %ne3A_411 = arith.cmpi ne, %sign3A_403, %sign3A_410 : i32
        %rem3A_412 = arith.remsi %sub3A_392, %jit3A_395 : i32
        %ne3A_413 = arith.constant 0 : i32
        %ne3A_414 = arith.cmpi ne, %rem3A_412, %ne3A_413 : i32
        %and3A_415 = arith.andi %ne3A_411, %ne3A_414 : i1
        %sub3A_416 = arith.constant 1 : i32
        %sub3A_417 = arith.subi %div3A_396, %sub3A_416 : i32
        %select_n3A_418 = arith.select %and3A_415, %sub3A_417, %div3A_396 : i32
        %add3A_419 = arith.addi %mul3A_394, %select_n3A_418 : i32
        %jit3A_420 = arith.constant 8 : i32
        %eq3A_421 = arith.constant 0 : i32
        %eq3A_422 = arith.cmpi eq, %jit3A_420, %eq3A_421 : i32
        %jit3A_423 = arith.constant 1 : i32
        %select_n3A_424 = arith.select %eq3A_422, %jit3A_423, %jit3A_420 : i32
        %rem3A_425 = arith.remsi %sub3A_392, %select_n3A_424 : i32
        %ne3A_426 = arith.constant 0 : i32
        %ne3A_427 = arith.cmpi ne, %rem3A_425, %ne3A_426 : i32
        %lt3A_428 = arith.constant 0 : i32
        %lt3A_429 = arith.cmpi slt, %rem3A_425, %lt3A_428 : i32
        %lt3A_430 = arith.constant 0 : i32
        %lt3A_431 = arith.cmpi slt, %select_n3A_424, %lt3A_430 : i32
        %ne3A_432 = arith.xori %lt3A_429, %lt3A_431 : i1
        %and3A_433 = arith.andi %ne3A_432, %ne3A_427 : i1
        %add3A_434 = arith.addi %rem3A_425, %select_n3A_424 : i32
        %select_n3A_435 = arith.select %and3A_433, %add3A_434, %rem3A_425 : i32
        %mul3A_436 = arith.constant 1024 : i32
        %mul3A_437 = arith.muli %select_n3A_435, %mul3A_436 : i32
        %mul3A_438 = arith.constant 8 : i32
        %mul3A_439 = arith.muli %add3A_419, %mul3A_438 : i32
        %dma_wait3A_440 = arith.constant 1 : i32
        %dma_wait3A_441 = arith.constant 0 : i32
        %dma_wait3A_442 = arith.constant 0 : i32
        %dma_wait3A_443 = tpu.memref_slice %arg7[%dma_wait3A_440, %dma_wait3A_441, %dma_wait3A_442] : memref<2x8x1024xf32, #tpu.memory_space<vmem>> -> memref<1x8x1024xf32, #tpu.memory_space<vmem>>
        %dma_wait3A_444 = tpu.memref_squeeze %dma_wait3A_443 : memref<1x8x1024xf32, #tpu.memory_space<vmem>> -> memref<8x1024xf32, #tpu.memory_space<vmem>>
        %dma_wait3A_445 = tpu.memref_slice %arg4[%select_n3A, %mul3A_439, %mul3A_437] : memref<16x64x8192xf32, #tpu.memory_space<hbm>> -> memref<1x8x1024xf32, #tpu.memory_space<hbm>>
        %dma_wait3A_446 = tpu.memref_squeeze %dma_wait3A_445 : memref<1x8x1024xf32, #tpu.memory_space<hbm>> -> memref<8x1024xf32, #tpu.memory_space<hbm>>
        %dma_wait3A_447 = tpu.memref_slice %arg4[%select_n3A, %mul3A_439, %mul3A_437] : memref<16x64x8192xf32, #tpu.memory_space<hbm>> -> memref<1x8x1024xf32, #tpu.memory_space<hbm>>
        %dma_wait3A_448 = tpu.memref_squeeze %dma_wait3A_447 : memref<1x8x1024xf32, #tpu.memory_space<hbm>> -> memref<8x1024xf32, #tpu.memory_space<hbm>>
        %dma_wait3A_449 = arith.constant 0 : i32
        %dma_wait3A_450 = arith.constant 0 : i32
        %dma_wait3A_451 = tpu.memref_slice %arg7[%dma_wait3A_440, %dma_wait3A_449, %dma_wait3A_450] : memref<2x8x1024xf32, #tpu.memory_space<vmem>> -> memref<1x8x1024xf32, #tpu.memory_space<vmem>>
        %dma_wait3A_452 = tpu.memref_squeeze %dma_wait3A_451 : memref<1x8x1024xf32, #tpu.memory_space<vmem>> -> memref<8x1024xf32, #tpu.memory_space<vmem>>
        tpu.wait_dma2 semaphore(%arg12 : memref<!tpu.dma_semaphore, #tpu.memory_space<semaphore_mem>>) src(%dma_wait3A_452 : memref<8x1024xf32, #tpu.memory_space<vmem>>) dst(%dma_wait3A_448 : memref<8x1024xf32, #tpu.memory_space<hbm>>)
      } else {
      }
      %parallel_loop3A_321 = arith.constant 0 : i32
      %parallel_loop3A_322 = arith.constant 1024 : i32
      %parallel_loop3A_323 = arith.constant 16 : i32
      scf.for %parallel_loop3A_391 = %parallel_loop3A_321 to %parallel_loop3A_322 step %parallel_loop3A_323  : i32 {
        %parallel_loop3A_392 = arith.constant 1 : i32
        %parallel_loop3A_393 = arith.constant 0 : i32
        %parallel_loop3A_394 = arith.index_cast %parallel_loop3A_392 : i32 to index
        %parallel_loop3A_395 = arith.index_cast %parallel_loop3A_393 : i32 to index
        %parallel_loop3A_396 = arith.index_cast %parallel_loop3A_391 : i32 to index
        %parallel_loop3A_397 = tpu.vector_load %arg6[%parallel_loop3A_394, %parallel_loop3A_395, %parallel_loop3A_396] {strides = array<i32>} : memref<2x8x1024xi32, #tpu.memory_space<vmem>>, vector<16xi32>,
        %parallel_loop3A_398 = tpu.vector_load_idx %arg5[%parallel_loop3A_397] : memref<65536xf32, #tpu.memory_space<vmem>>[vector<16xi32>], vector<16xf32>,
        %parallel_loop3A_399 = arith.constant 1 : i32
        %parallel_loop3A_400 = arith.constant 0 : i32
        %parallel_loop3A_401 = arith.index_cast %parallel_loop3A_399 : i32 to index
        %parallel_loop3A_402 = arith.index_cast %parallel_loop3A_400 : i32 to index
        %parallel_loop3A_403 = arith.index_cast %parallel_loop3A_391 : i32 to index
        %parallel_loop3A_404 = tpu.vector_load %arg7[%parallel_loop3A_401, %parallel_loop3A_402, %parallel_loop3A_403] {strides = array<i32>} : memref<2x8x1024xf32, #tpu.memory_space<vmem>>, vector<16xf32>,
        tpu.vector_store %arg7[%parallel_loop3A_401, %parallel_loop3A_402, %parallel_loop3A_403], %parallel_loop3A_398 {strides = array<i32>} : memref<2x8x1024xf32, #tpu.memory_space<vmem>>, vector<16xf32>,
        %parallel_loop3A_405 = arith.constant 1 : i32
        %parallel_loop3A_406 = arith.constant 1 : i32
        %parallel_loop3A_407 = arith.index_cast %parallel_loop3A_405 : i32 to index
        %parallel_loop3A_408 = arith.index_cast %parallel_loop3A_406 : i32 to index
        %parallel_loop3A_409 = arith.index_cast %parallel_loop3A_391 : i32 to index
        %parallel_loop3A_410 = tpu.vector_load %arg6[%parallel_loop3A_407, %parallel_loop3A_408, %parallel_loop3A_409] {strides = array<i32>} : memref<2x8x1024xi32, #tpu.memory_space<vmem>>, vector<16xi32>,
        %parallel_loop3A_411 = tpu.vector_load_idx %arg5[%parallel_loop3A_410] : memref<65536xf32, #tpu.memory_space<vmem>>[vector<16xi32>], vector<16xf32>,
        %parallel_loop3A_412 = arith.constant 1 : i32
        %parallel_loop3A_413 = arith.constant 1 : i32
        %parallel_loop3A_414 = arith.index_cast %parallel_loop3A_412 : i32 to index
        %parallel_loop3A_415 = arith.index_cast %parallel_loop3A_413 : i32 to index
        %parallel_loop3A_416 = arith.index_cast %parallel_loop3A_391 : i32 to index
        %parallel_loop3A_417 = tpu.vector_load %arg7[%parallel_loop3A_414, %parallel_loop3A_415, %parallel_loop3A_416] {strides = array<i32>} : memref<2x8x1024xf32, #tpu.memory_space<vmem>>, vector<16xf32>,
        tpu.vector_store %arg7[%parallel_loop3A_414, %parallel_loop3A_415, %parallel_loop3A_416], %parallel_loop3A_411 {strides = array<i32>} : memref<2x8x1024xf32, #tpu.memory_space<vmem>>, vector<16xf32>,
        %parallel_loop3A_418 = arith.constant 1 : i32
        %parallel_loop3A_419 = arith.constant 2 : i32
        %parallel_loop3A_420 = arith.index_cast %parallel_loop3A_418 : i32 to index
        %parallel_loop3A_421 = arith.index_cast %parallel_loop3A_419 : i32 to index
        %parallel_loop3A_422 = arith.index_cast %parallel_loop3A_391 : i32 to index
        %parallel_loop3A_423 = tpu.vector_load %arg6[%parallel_loop3A_420, %parallel_loop3A_421, %parallel_loop3A_422] {strides = array<i32>} : memref<2x8x1024xi32, #tpu.memory_space<vmem>>, vector<16xi32>,
        %parallel_loop3A_424 = tpu.vector_load_idx %arg5[%parallel_loop3A_423] : memref<65536xf32, #tpu.memory_space<vmem>>[vector<16xi32>], vector<16xf32>,
        %parallel_loop3A_425 = arith.constant 1 : i32
        %parallel_loop3A_426 = arith.constant 2 : i32
        %parallel_loop3A_427 = arith.index_cast %parallel_loop3A_425 : i32 to index
        %parallel_loop3A_428 = arith.index_cast %parallel_loop3A_426 : i32 to index
        %parallel_loop3A_429 = arith.index_cast %parallel_loop3A_391 : i32 to index
        %parallel_loop3A_430 = tpu.vector_load %arg7[%parallel_loop3A_427, %parallel_loop3A_428, %parallel_loop3A_429] {strides = array<i32>} : memref<2x8x1024xf32, #tpu.memory_space<vmem>>, vector<16xf32>,
        tpu.vector_store %arg7[%parallel_loop3A_427, %parallel_loop3A_428, %parallel_loop3A_429], %parallel_loop3A_424 {strides = array<i32>} : memref<2x8x1024xf32, #tpu.memory_space<vmem>>, vector<16xf32>,
        %parallel_loop3A_431 = arith.constant 1 : i32
        %parallel_loop3A_432 = arith.constant 3 : i32
        %parallel_loop3A_433 = arith.index_cast %parallel_loop3A_431 : i32 to index
        %parallel_loop3A_434 = arith.index_cast %parallel_loop3A_432 : i32 to index
        %parallel_loop3A_435 = arith.index_cast %parallel_loop3A_391 : i32 to index
        %parallel_loop3A_436 = tpu.vector_load %arg6[%parallel_loop3A_433, %parallel_loop3A_434, %parallel_loop3A_435] {strides = array<i32>} : memref<2x8x1024xi32, #tpu.memory_space<vmem>>, vector<16xi32>,
        %parallel_loop3A_437 = tpu.vector_load_idx %arg5[%parallel_loop3A_436] : memref<65536xf32, #tpu.memory_space<vmem>>[vector<16xi32>], vector<16xf32>,
        %parallel_loop3A_438 = arith.constant 1 : i32
        %parallel_loop3A_439 = arith.constant 3 : i32
        %parallel_loop3A_440 = arith.index_cast %parallel_loop3A_438 : i32 to index
        %parallel_loop3A_441 = arith.index_cast %parallel_loop3A_439 : i32 to index
        %parallel_loop3A_442 = arith.index_cast %parallel_loop3A_391 : i32 to index
        %parallel_loop3A_443 = tpu.vector_load %arg7[%parallel_loop3A_440, %parallel_loop3A_441, %parallel_loop3A_442] {strides = array<i32>} : memref<2x8x1024xf32, #tpu.memory_space<vmem>>, vector<16xf32>,
        tpu.vector_store %arg7[%parallel_loop3A_440, %parallel_loop3A_441, %parallel_loop3A_442], %parallel_loop3A_437 {strides = array<i32>} : memref<2x8x1024xf32, #tpu.memory_space<vmem>>, vector<16xf32>,
        %parallel_loop3A_444 = arith.constant 1 : i32
        %parallel_loop3A_445 = arith.constant 4 : i32
        %parallel_loop3A_446 = arith.index_cast %parallel_loop3A_444 : i32 to index
        %parallel_loop3A_447 = arith.index_cast %parallel_loop3A_445 : i32 to index
        %parallel_loop3A_448 = arith.index_cast %parallel_loop3A_391 : i32 to index
        %parallel_loop3A_449 = tpu.vector_load %arg6[%parallel_loop3A_446, %parallel_loop3A_447, %parallel_loop3A_448] {strides = array<i32>} : memref<2x8x1024xi32, #tpu.memory_space<vmem>>, vector<16xi32>,
        %parallel_loop3A_450 = tpu.vector_load_idx %arg5[%parallel_loop3A_449] : memref<65536xf32, #tpu.memory_space<vmem>>[vector<16xi32>], vector<16xf32>,
        %parallel_loop3A_451 = arith.constant 1 : i32
        %parallel_loop3A_452 = arith.constant 4 : i32
        %parallel_loop3A_453 = arith.index_cast %parallel_loop3A_451 : i32 to index
        %parallel_loop3A_454 = arith.index_cast %parallel_loop3A_452 : i32 to index
        %parallel_loop3A_455 = arith.index_cast %parallel_loop3A_391 : i32 to index
        %parallel_loop3A_456 = tpu.vector_load %arg7[%parallel_loop3A_453, %parallel_loop3A_454, %parallel_loop3A_455] {strides = array<i32>} : memref<2x8x1024xf32, #tpu.memory_space<vmem>>, vector<16xf32>,
        tpu.vector_store %arg7[%parallel_loop3A_453, %parallel_loop3A_454, %parallel_loop3A_455], %parallel_loop3A_450 {strides = array<i32>} : memref<2x8x1024xf32, #tpu.memory_space<vmem>>, vector<16xf32>,
        %parallel_loop3A_457 = arith.constant 1 : i32
        %parallel_loop3A_458 = arith.constant 5 : i32
        %parallel_loop3A_459 = arith.index_cast %parallel_loop3A_457 : i32 to index
        %parallel_loop3A_460 = arith.index_cast %parallel_loop3A_458 : i32 to index
        %parallel_loop3A_461 = arith.index_cast %parallel_loop3A_391 : i32 to index
        %parallel_loop3A_462 = tpu.vector_load %arg6[%parallel_loop3A_459, %parallel_loop3A_460, %parallel_loop3A_461] {strides = array<i32>} : memref<2x8x1024xi32, #tpu.memory_space<vmem>>, vector<16xi32>,
        %parallel_loop3A_463 = tpu.vector_load_idx %arg5[%parallel_loop3A_462] : memref<65536xf32, #tpu.memory_space<vmem>>[vector<16xi32>], vector<16xf32>,
        %parallel_loop3A_464 = arith.constant 1 : i32
        %parallel_loop3A_465 = arith.constant 5 : i32
        %parallel_loop3A_466 = arith.index_cast %parallel_loop3A_464 : i32 to index
        %parallel_loop3A_467 = arith.index_cast %parallel_loop3A_465 : i32 to index
        %parallel_loop3A_468 = arith.index_cast %parallel_loop3A_391 : i32 to index
        %parallel_loop3A_469 = tpu.vector_load %arg7[%parallel_loop3A_466, %parallel_loop3A_467, %parallel_loop3A_468] {strides = array<i32>} : memref<2x8x1024xf32, #tpu.memory_space<vmem>>, vector<16xf32>,
        tpu.vector_store %arg7[%parallel_loop3A_466, %parallel_loop3A_467, %parallel_loop3A_468], %parallel_loop3A_463 {strides = array<i32>} : memref<2x8x1024xf32, #tpu.memory_space<vmem>>, vector<16xf32>,
        %parallel_loop3A_470 = arith.constant 1 : i32
        %parallel_loop3A_471 = arith.constant 6 : i32
        %parallel_loop3A_472 = arith.index_cast %parallel_loop3A_470 : i32 to index
        %parallel_loop3A_473 = arith.index_cast %parallel_loop3A_471 : i32 to index
        %parallel_loop3A_474 = arith.index_cast %parallel_loop3A_391 : i32 to index
        %parallel_loop3A_475 = tpu.vector_load %arg6[%parallel_loop3A_472, %parallel_loop3A_473, %parallel_loop3A_474] {strides = array<i32>} : memref<2x8x1024xi32, #tpu.memory_space<vmem>>, vector<16xi32>,
        %parallel_loop3A_476 = tpu.vector_load_idx %arg5[%parallel_loop3A_475] : memref<65536xf32, #tpu.memory_space<vmem>>[vector<16xi32>], vector<16xf32>,
        %parallel_loop3A_477 = arith.constant 1 : i32
        %parallel_loop3A_478 = arith.constant 6 : i32
        %parallel_loop3A_479 = arith.index_cast %parallel_loop3A_477 : i32 to index
        %parallel_loop3A_480 = arith.index_cast %parallel_loop3A_478 : i32 to index
        %parallel_loop3A_481 = arith.index_cast %parallel_loop3A_391 : i32 to index
        %parallel_loop3A_482 = tpu.vector_load %arg7[%parallel_loop3A_479, %parallel_loop3A_480, %parallel_loop3A_481] {strides = array<i32>} : memref<2x8x1024xf32, #tpu.memory_space<vmem>>, vector<16xf32>,
        tpu.vector_store %arg7[%parallel_loop3A_479, %parallel_loop3A_480, %parallel_loop3A_481], %parallel_loop3A_476 {strides = array<i32>} : memref<2x8x1024xf32, #tpu.memory_space<vmem>>, vector<16xf32>,
        %parallel_loop3A_483 = arith.constant 1 : i32
        %parallel_loop3A_484 = arith.constant 7 : i32
        %parallel_loop3A_485 = arith.index_cast %parallel_loop3A_483 : i32 to index
        %parallel_loop3A_486 = arith.index_cast %parallel_loop3A_484 : i32 to index
        %parallel_loop3A_487 = arith.index_cast %parallel_loop3A_391 : i32 to index
        %parallel_loop3A_488 = tpu.vector_load %arg6[%parallel_loop3A_485, %parallel_loop3A_486, %parallel_loop3A_487] {strides = array<i32>} : memref<2x8x1024xi32, #tpu.memory_space<vmem>>, vector<16xi32>,
        %parallel_loop3A_489 = tpu.vector_load_idx %arg5[%parallel_loop3A_488] : memref<65536xf32, #tpu.memory_space<vmem>>[vector<16xi32>], vector<16xf32>,
        %parallel_loop3A_490 = arith.constant 1 : i32
        %parallel_loop3A_491 = arith.constant 7 : i32
        %parallel_loop3A_492 = arith.index_cast %parallel_loop3A_490 : i32 to index
        %parallel_loop3A_493 = arith.index_cast %parallel_loop3A_491 : i32 to index
        %parallel_loop3A_494 = arith.index_cast %parallel_loop3A_391 : i32 to index
        %parallel_loop3A_495 = tpu.vector_load %arg7[%parallel_loop3A_492, %parallel_loop3A_493, %parallel_loop3A_494] {strides = array<i32>} : memref<2x8x1024xf32, #tpu.memory_space<vmem>>, vector<16xf32>,
        tpu.vector_store %arg7[%parallel_loop3A_492, %parallel_loop3A_493, %parallel_loop3A_494], %parallel_loop3A_489 {strides = array<i32>} : memref<2x8x1024xf32, #tpu.memory_space<vmem>>, vector<16xf32>,
      } {sc.loop_unroll_factor = 2 : i64, sc.parallel_access}
      %mul3A_324 = arith.constant 4 : i32
      %mul3A_325 = arith.muli %select_n3A_30, %mul3A_324 : i32
      %jit3A_326 = arith.constant 8 : i32
      %div3A_327 = arith.divsi %add3A_257, %jit3A_326 : i32
      %sign3A_328 = arith.constant 0 : i32
      %sign3A_329 = arith.cmpi sgt, %add3A_257, %sign3A_328 : i32
      %sign3A_330 = arith.extui %sign3A_329 : i1 to i32
      %sign3A_331 = arith.constant 0 : i32
      %sign3A_332 = arith.cmpi slt, %add3A_257, %sign3A_331 : i32
      %sign3A_333 = arith.extui %sign3A_332 : i1 to i32
      %sign3A_334 = arith.subi %sign3A_330, %sign3A_333 : i32
      %sign3A_335 = arith.constant 0 : i32
      %sign3A_336 = arith.cmpi sgt, %jit3A_326, %sign3A_335 : i32
      %sign3A_337 = arith.extui %sign3A_336 : i1 to i32
      %sign3A_338 = arith.constant 0 : i32
      %sign3A_339 = arith.cmpi slt, %jit3A_326, %sign3A_338 : i32
      %sign3A_340 = arith.extui %sign3A_339 : i1 to i32
      %sign3A_341 = arith.subi %sign3A_337, %sign3A_340 : i32
      %ne3A_342 = arith.cmpi ne, %sign3A_334, %sign3A_341 : i32
      %rem3A_343 = arith.remsi %add3A_257, %jit3A_326 : i32
      %ne3A_344 = arith.constant 0 : i32
      %ne3A_345 = arith.cmpi ne, %rem3A_343, %ne3A_344 : i32
      %and3A_346 = arith.andi %ne3A_342, %ne3A_345 : i1
      %sub3A_347 = arith.constant 1 : i32
      %sub3A_348 = arith.subi %div3A_327, %sub3A_347 : i32
      %select_n3A_349 = arith.select %and3A_346, %sub3A_348, %div3A_327 : i32
      %add3A_350 = arith.addi %mul3A_325, %select_n3A_349 : i32
      %jit3A_351 = arith.constant 8 : i32
      %eq3A_352 = arith.constant 0 : i32
      %eq3A_353 = arith.cmpi eq, %jit3A_351, %eq3A_352 : i32
      %jit3A_354 = arith.constant 1 : i32
      %select_n3A_355 = arith.select %eq3A_353, %jit3A_354, %jit3A_351 : i32
      %rem3A_356 = arith.remsi %add3A_257, %select_n3A_355 : i32
      %ne3A_357 = arith.constant 0 : i32
      %ne3A_358 = arith.cmpi ne, %rem3A_356, %ne3A_357 : i32
      %lt3A_359 = arith.constant 0 : i32
      %lt3A_360 = arith.cmpi slt, %rem3A_356, %lt3A_359 : i32
      %lt3A_361 = arith.constant 0 : i32
      %lt3A_362 = arith.cmpi slt, %select_n3A_355, %lt3A_361 : i32
      %ne3A_363 = arith.xori %lt3A_360, %lt3A_362 : i1
      %and3A_364 = arith.andi %ne3A_363, %ne3A_358 : i1
      %add3A_365 = arith.addi %rem3A_356, %select_n3A_355 : i32
      %select_n3A_366 = arith.select %and3A_364, %add3A_365, %rem3A_356 : i32
      %mul3A_367 = arith.constant 1024 : i32
      %mul3A_368 = arith.muli %select_n3A_366, %mul3A_367 : i32
      %mul3A_369 = arith.constant 8 : i32
      %mul3A_370 = arith.muli %add3A_350, %mul3A_369 : i32
      %dma_start3A_371 = arith.constant 1 : i32
      %dma_start3A_372 = arith.constant 0 : i32
      %dma_start3A_373 = arith.constant 0 : i32
      %dma_start3A_374 = tpu.memref_slice %arg7[%dma_start3A_371, %dma_start3A_372, %dma_start3A_373] : memref<2x8x1024xf32, #tpu.memory_space<vmem>> -> memref<1x8x1024xf32, #tpu.memory_space<vmem>>
      %dma_start3A_375 = tpu.memref_squeeze %dma_start3A_374 : memref<1x8x1024xf32, #tpu.memory_space<vmem>> -> memref<8x1024xf32, #tpu.memory_space<vmem>>
      %dma_start3A_376 = tpu.memref_slice %arg4[%select_n3A, %mul3A_370, %mul3A_368] : memref<16x64x8192xf32, #tpu.memory_space<hbm>> -> memref<1x8x1024xf32, #tpu.memory_space<hbm>>
      %dma_start3A_377 = tpu.memref_squeeze %dma_start3A_376 : memref<1x8x1024xf32, #tpu.memory_space<hbm>> -> memref<8x1024xf32, #tpu.memory_space<hbm>>
      %dma_start3A_378 = tpu.memref_slice %arg4[%select_n3A, %mul3A_370, %mul3A_368] : memref<16x64x8192xf32, #tpu.memory_space<hbm>> -> memref<1x8x1024xf32, #tpu.memory_space<hbm>>
      %dma_start3A_379 = tpu.memref_squeeze %dma_start3A_378 : memref<1x8x1024xf32, #tpu.memory_space<hbm>> -> memref<8x1024xf32, #tpu.memory_space<hbm>>
      %dma_start3A_380 = arith.constant 0 : i32
      %dma_start3A_381 = arith.constant 0 : i32
      %dma_start3A_382 = tpu.memref_slice %arg7[%dma_start3A_371, %dma_start3A_380, %dma_start3A_381] : memref<2x8x1024xf32, #tpu.memory_space<vmem>> -> memref<1x8x1024xf32, #tpu.memory_space<vmem>>
      %dma_start3A_383 = tpu.memref_squeeze %dma_start3A_382 : memref<1x8x1024xf32, #tpu.memory_space<vmem>> -> memref<8x1024xf32, #tpu.memory_space<vmem>>
      tpu.enqueue_dma source(%dma_start3A_383 : memref<8x1024xf32, #tpu.memory_space<vmem>>) target(%dma_start3A_379 : memref<8x1024xf32, #tpu.memory_space<hbm>>) target_semaphore(%arg12 : memref<!tpu.dma_semaphore, #tpu.memory_space<semaphore_mem>>)
      %add3A_384 = arith.constant 2 : i32
      %add3A_385 = arith.addi %add3A_257, %add3A_384 : i32
      %lt3A_386 = arith.constant 32 : i32
      %lt3A_387 = arith.cmpi slt, %add3A_385, %lt3A_386 : i32
      %convert_element_type3A_388 = arith.extui %lt3A_387 : i1 to i32
      %cond3A_389 = arith.constant 0 : i32
      %cond3A_390 = arith.cmpi ne, %convert_element_type3A_388, %cond3A_389 : i32
      scf.if %cond3A_390 {
        %add3A_391 = arith.constant 2 : i32
        %add3A_392 = arith.addi %add3A_257, %add3A_391 : i32
        %mul3A_393 = arith.constant 4 : i32
        %mul3A_394 = arith.muli %select_n3A_30, %mul3A_393 : i32
        %jit3A_395 = arith.constant 8 : i32
        %div3A_396 = arith.divsi %add3A_392, %jit3A_395 : i32
        %sign3A_397 = arith.constant 0 : i32
        %sign3A_398 = arith.cmpi sgt, %add3A_392, %sign3A_397 : i32
        %sign3A_399 = arith.extui %sign3A_398 : i1 to i32
        %sign3A_400 = arith.constant 0 : i32
        %sign3A_401 = arith.cmpi slt, %add3A_392, %sign3A_400 : i32
        %sign3A_402 = arith.extui %sign3A_401 : i1 to i32
        %sign3A_403 = arith.subi %sign3A_399, %sign3A_402 : i32
        %sign3A_404 = arith.constant 0 : i32
        %sign3A_405 = arith.cmpi sgt, %jit3A_395, %sign3A_404 : i32
        %sign3A_406 = arith.extui %sign3A_405 : i1 to i32
        %sign3A_407 = arith.constant 0 : i32
        %sign3A_408 = arith.cmpi slt, %jit3A_395, %sign3A_407 : i32
        %sign3A_409 = arith.extui %sign3A_408 : i1 to i32
        %sign3A_410 = arith.subi %sign3A_406, %sign3A_409 : i32
        %ne3A_411 = arith.cmpi ne, %sign3A_403, %sign3A_410 : i32
        %rem3A_412 = arith.remsi %add3A_392, %jit3A_395 : i32
        %ne3A_413 = arith.constant 0 : i32
        %ne3A_414 = arith.cmpi ne, %rem3A_412, %ne3A_413 : i32
        %and3A_415 = arith.andi %ne3A_411, %ne3A_414 : i1
        %sub3A_416 = arith.constant 1 : i32
        %sub3A_417 = arith.subi %div3A_396, %sub3A_416 : i32
        %select_n3A_418 = arith.select %and3A_415, %sub3A_417, %div3A_396 : i32
        %add3A_419 = arith.addi %mul3A_394, %select_n3A_418 : i32
        %jit3A_420 = arith.constant 8 : i32
        %eq3A_421 = arith.constant 0 : i32
        %eq3A_422 = arith.cmpi eq, %jit3A_420, %eq3A_421 : i32
        %jit3A_423 = arith.constant 1 : i32
        %select_n3A_424 = arith.select %eq3A_422, %jit3A_423, %jit3A_420 : i32
        %rem3A_425 = arith.remsi %add3A_392, %select_n3A_424 : i32
        %ne3A_426 = arith.constant 0 : i32
        %ne3A_427 = arith.cmpi ne, %rem3A_425, %ne3A_426 : i32
        %lt3A_428 = arith.constant 0 : i32
        %lt3A_429 = arith.cmpi slt, %rem3A_425, %lt3A_428 : i32
        %lt3A_430 = arith.constant 0 : i32
        %lt3A_431 = arith.cmpi slt, %select_n3A_424, %lt3A_430 : i32
        %ne3A_432 = arith.xori %lt3A_429, %lt3A_431 : i1
        %and3A_433 = arith.andi %ne3A_432, %ne3A_427 : i1
        %add3A_434 = arith.addi %rem3A_425, %select_n3A_424 : i32
        %select_n3A_435 = arith.select %and3A_433, %add3A_434, %rem3A_425 : i32
        %mul3A_436 = arith.constant 1024 : i32
        %mul3A_437 = arith.muli %select_n3A_435, %mul3A_436 : i32
        %mul3A_438 = arith.constant 8 : i32
        %mul3A_439 = arith.muli %add3A_419, %mul3A_438 : i32
        %dma_start3A_440 = arith.constant 1 : i32
        %dma_start3A_441 = arith.constant 0 : i32
        %dma_start3A_442 = arith.constant 0 : i32
        %dma_start3A_443 = tpu.memref_slice %arg6[%dma_start3A_440, %dma_start3A_441, %dma_start3A_442] : memref<2x8x1024xi32, #tpu.memory_space<vmem>> -> memref<1x8x1024xi32, #tpu.memory_space<vmem>>
        %dma_start3A_444 = tpu.memref_squeeze %dma_start3A_443 : memref<1x8x1024xi32, #tpu.memory_space<vmem>> -> memref<8x1024xi32, #tpu.memory_space<vmem>>
        %dma_start3A_445 = tpu.memref_slice %arg2[%mul3A_439, %mul3A_437] : memref<64x8192xi32, #tpu.memory_space<hbm>> -> memref<8x1024xi32, #tpu.memory_space<hbm>>
        %dma_start3A_446 = arith.constant 0 : i32
        %dma_start3A_447 = arith.constant 0 : i32
        %dma_start3A_448 = tpu.memref_slice %arg6[%dma_start3A_440, %dma_start3A_446, %dma_start3A_447] : memref<2x8x1024xi32, #tpu.memory_space<vmem>> -> memref<1x8x1024xi32, #tpu.memory_space<vmem>>
        %dma_start3A_449 = tpu.memref_squeeze %dma_start3A_448 : memref<1x8x1024xi32, #tpu.memory_space<vmem>> -> memref<8x1024xi32, #tpu.memory_space<vmem>>
        %dma_start3A_450 = tpu.memref_slice %arg2[%mul3A_439, %mul3A_437] : memref<64x8192xi32, #tpu.memory_space<hbm>> -> memref<8x1024xi32, #tpu.memory_space<hbm>>
        tpu.enqueue_dma source(%dma_start3A_450 : memref<8x1024xi32, #tpu.memory_space<hbm>>) target(%dma_start3A_449 : memref<8x1024xi32, #tpu.memory_space<vmem>>) target_semaphore(%arg10 : memref<!tpu.dma_semaphore, #tpu.memory_space<semaphore_mem>>)
      } else {
      }
    }
    %scan3A_77 = arith.constant 16 : i32
    %mul3A_78 = arith.constant 4 : i32
    %mul3A_79 = arith.muli %select_n3A_30, %mul3A_78 : i32
    %add3A_80 = arith.constant 3 : i32
    %add3A_81 = arith.addi %mul3A_79, %add3A_80 : i32
    %mul3A_82 = arith.constant 8 : i32
    %mul3A_83 = arith.muli %add3A_81, %mul3A_82 : i32
    %dma_wait3A_84 = arith.constant 0 : i32
    %dma_wait3A_85 = arith.constant 0 : i32
    %dma_wait3A_86 = arith.constant 0 : i32
    %dma_wait3A_87 = tpu.memref_slice %arg7[%dma_wait3A_84, %dma_wait3A_85, %dma_wait3A_86] : memref<2x8x1024xf32, #tpu.memory_space<vmem>> -> memref<1x8x1024xf32, #tpu.memory_space<vmem>>
    %dma_wait3A_88 = tpu.memref_squeeze %dma_wait3A_87 : memref<1x8x1024xf32, #tpu.memory_space<vmem>> -> memref<8x1024xf32, #tpu.memory_space<vmem>>
    %dma_wait3A_89 = arith.constant 6144 : i32
    %dma_wait3A_90 = tpu.memref_slice %arg4[%select_n3A, %mul3A_83, %dma_wait3A_89] : memref<16x64x8192xf32, #tpu.memory_space<hbm>> -> memref<1x8x1024xf32, #tpu.memory_space<hbm>>
    %dma_wait3A_91 = tpu.memref_squeeze %dma_wait3A_90 : memref<1x8x1024xf32, #tpu.memory_space<hbm>> -> memref<8x1024xf32, #tpu.memory_space<hbm>>
    %dma_wait3A_92 = arith.constant 6144 : i32
    %dma_wait3A_93 = tpu.memref_slice %arg4[%select_n3A, %mul3A_83, %dma_wait3A_92] : memref<16x64x8192xf32, #tpu.memory_space<hbm>> -> memref<1x8x1024xf32, #tpu.memory_space<hbm>>
    %dma_wait3A_94 = tpu.memref_squeeze %dma_wait3A_93 : memref<1x8x1024xf32, #tpu.memory_space<hbm>> -> memref<8x1024xf32, #tpu.memory_space<hbm>>
    %dma_wait3A_95 = arith.constant 0 : i32
    %dma_wait3A_96 = arith.constant 0 : i32
    %dma_wait3A_97 = tpu.memref_slice %arg7[%dma_wait3A_84, %dma_wait3A_95, %dma_wait3A_96] : memref<2x8x1024xf32, #tpu.memory_space<vmem>> -> memref<1x8x1024xf32, #tpu.memory_space<vmem>>
    %dma_wait3A_98 = tpu.memref_squeeze %dma_wait3A_97 : memref<1x8x1024xf32, #tpu.memory_space<vmem>> -> memref<8x1024xf32, #tpu.memory_space<vmem>>
    tpu.wait_dma2 semaphore(%arg11 : memref<!tpu.dma_semaphore, #tpu.memory_space<semaphore_mem>>) src(%dma_wait3A_98 : memref<8x1024xf32, #tpu.memory_space<vmem>>) dst(%dma_wait3A_94 : memref<8x1024xf32, #tpu.memory_space<hbm>>)
    %mul3A_99 = arith.constant 4 : i32
    %mul3A_100 = arith.muli %select_n3A_30, %mul3A_99 : i32
    %add3A_101 = arith.constant 3 : i32
    %add3A_102 = arith.addi %mul3A_100, %add3A_101 : i32
    %mul3A_103 = arith.constant 8 : i32
    %mul3A_104 = arith.muli %add3A_102, %mul3A_103 : i32
    %dma_wait3A_105 = arith.constant 1 : i32
    %dma_wait3A_106 = arith.constant 0 : i32
    %dma_wait3A_107 = arith.constant 0 : i32
    %dma_wait3A_108 = tpu.memref_slice %arg7[%dma_wait3A_105, %dma_wait3A_106, %dma_wait3A_107] : memref<2x8x1024xf32, #tpu.memory_space<vmem>> -> memref<1x8x1024xf32, #tpu.memory_space<vmem>>
    %dma_wait3A_109 = tpu.memref_squeeze %dma_wait3A_108 : memref<1x8x1024xf32, #tpu.memory_space<vmem>> -> memref<8x1024xf32, #tpu.memory_space<vmem>>
    %dma_wait3A_110 = arith.constant 7168 : i32
    %dma_wait3A_111 = tpu.memref_slice %arg4[%select_n3A, %mul3A_104, %dma_wait3A_110] : memref<16x64x8192xf32, #tpu.memory_space<hbm>> -> memref<1x8x1024xf32, #tpu.memory_space<hbm>>
    %dma_wait3A_112 = tpu.memref_squeeze %dma_wait3A_111 : memref<1x8x1024xf32, #tpu.memory_space<hbm>> -> memref<8x1024xf32, #tpu.memory_space<hbm>>
    %dma_wait3A_113 = arith.constant 7168 : i32
    %dma_wait3A_114 = tpu.memref_slice %arg4[%select_n3A, %mul3A_104, %dma_wait3A_113] : memref<16x64x8192xf32, #tpu.memory_space<hbm>> -> memref<1x8x1024xf32, #tpu.memory_space<hbm>>
    %dma_wait3A_115 = tpu.memref_squeeze %dma_wait3A_114 : memref<1x8x1024xf32, #tpu.memory_space<hbm>> -> memref<8x1024xf32, #tpu.memory_space<hbm>>
    %dma_wait3A_116 = arith.constant 0 : i32
    %dma_wait3A_117 = arith.constant 0 : i32
    %dma_wait3A_118 = tpu.memref_slice %arg7[%dma_wait3A_105, %dma_wait3A_116, %dma_wait3A_117] : memref<2x8x1024xf32, #tpu.memory_space<vmem>> -> memref<1x8x1024xf32, #tpu.memory_space<vmem>>
    %dma_wait3A_119 = tpu.memref_squeeze %dma_wait3A_118 : memref<1x8x1024xf32, #tpu.memory_space<vmem>> -> memref<8x1024xf32, #tpu.memory_space<vmem>>
    tpu.wait_dma2 semaphore(%arg12 : memref<!tpu.dma_semaphore, #tpu.memory_space<semaphore_mem>>) src(%dma_wait3A_119 : memref<8x1024xf32, #tpu.memory_space<vmem>>) dst(%dma_wait3A_115 : memref<8x1024xf32, #tpu.memory_space<hbm>>)
    return
  }
}

</mosaic_0001>

<sc_bundles>
// kernel: kernel.3.cloned.1.call-start
scs
__scs_entry_jumppad:
0x0: {  	(pc) =	sbr.rel $0x88, $3  }
0x1: {  	(tag) =	ssettag $0x0;
	lr =	simm.s32 $0x1  }
0x2: {  	[smem:$0x3F9F] =	sst lr;
	_ =	strace $0xD0000000  }
0x3: {  	_ = 	snop  }
0x4: {  	_ = 	snop  }
0x5: {  	_ = 	snop  }
0x6: {  	_ = 	snop  }
0x7: {  	_ = 	snop  }
__scs_overlays_trampoline_lowered:
0x8: {  	[smem:$0x3FAE] =	sst s0  }
0x9: {  	[smem:$0x3FAF] =	sst s1  }
0xa: {  	[smem:$0x3FB0] =	sst s2  }
0xb: {  	[smem:$0x3FB1] =	sst s3  }
0xc: {  	[smem:$0x3FB2] =	sst s4  }
0xd: {  	[smem:$0x3FB3] =	sst s5  }
0xe: {  	[smem:$0x3FB4] =	sst s6  }
0xf: {  	[smem:$0x3FB5] =	sst s7  }
0x10: {  	[smem:$0x3FB6] =	sst s8  }
0x11: {  	[smem:$0x3FB7] =	sst s9;
	s0 =	simm.s32 @!p0 $0x0  }
0x12: {  	s1 =	sld [smem:$0x3F9D];
	s0 =	simm.s32 @p0 $0x1  }
0x13: {  	[smem:$0x3FB8] =	sst s0;
	s0 =	simm.s32 @!p1 $0x0  }
0x14: {  	s2 =	sld [smem:$0x3F9C];
	s0 =	simm.s32 @p1 $0x1  }
0x15: {  	[smem:$0x3FB9] =	sst s0;
	s0 =	simm.s32 @!p2 $0x0  }
0x16: {  	s3 =	sld [smem:$0x3FDB];
	s0 =	simm.s32 @p2 $0x1  }
0x17: {  	s4 =	simm.s32 $0x1BF5;
	[smem:$0x3FBB] =	sst s0  }
0x18: {  	s0 =	sld [smem:$0x3F9E];
	_ =	swait.ge [sflag:s4], $0x0  }
0x19: {  	s7 =	sld [smem:$0x3F9F]  }
0x1a: {  	s8 =	sadd.s32 $0xFFFFE003, lr  }
0x1b: {  	s9 =	sadd.s32 $0xFFFFFEF7, lr;
	s5 =	simm.s32 $0xFFFFFFFF;
	p2 =	slt.u32 s8, $0xFFFFF086  }
0x1c: {  	p1 =	slt.u32 s9, $0xF7A;
	s5 =	simm.s32 @!p2 $0x0  }
0x1d: {  	s5 =	simm.s32 @p1 $0x1;
	p0 =	seq.s32 s7, s2  }
0x1e: {  	s7 =	smul.u32 @!p0 $0xF7A, s2;
	p2 =	seq.s32 @!p0 s5, $0x0  }
0x1f: {  	s9 =	smul.u32 $0xF7A, s1;
	s8 =	simm.s32 @!p0 $0x1BF5;
	p2 =	por !p2, p0  }
0x20: {  	[sflag:s8] =	ssyncset.s32 @!p0 $0xFFFFF086;
	s6 =	sadd.s32 @!p0 s3, s7;
	s7 =	simm.s32 @!p0 $0x108  }
0x21: {  	s3 =	sadd.s32 s3, s9;
	s6 =	sadd.s32 @!p0 $0x88, s6;
	s7 =	simm.s32 @p2 $0x1082  }
0x22: {  	[simem:s7], [sflag:s8] =	dma.local @!p0 [hbm:s6], $0xF7A  }
0x23: {  	s9 =	sor.u32 $0xD0000000, s2;
	s6 =	simm.s32 $0x108;
	_ =	swait.ge @!p0 [sflag:s8], $0x0  }
0x24: {  	s3 =	sadd.s32 $0x88, s3;
	s6 =	simm.s32 @!p1 $0x1082;
	[sflag:s4] =	ssyncset.s32 $0xFFFFF086  }
0x25: {  	[simem:s6], [sflag:s4] =	dma.local [hbm:s3], $0xF7A  }
0x26: {  	[smem:$0x3F9F] =	sst s1;
	(tag) =	ssettag s2;
	_ =	strace s9  }
0x27: {  	s1 =	sld [smem:$0x3FAF]  }
0x28: {  	s2 =	sld [smem:$0x3FB0]  }
0x29: {  	s4 =	sld [smem:$0x3FB2]  }
0x2a: {  	p0 =	seq.s32 s5, $0x0;
	s5 =	sld [smem:$0x3FB3]  }
0x2b: {  	s6 =	sld [smem:$0x3FB4]  }
0x2c: {  	s7 =	sld [smem:$0x3FB5]  }
0x2d: {  	s3 =	simm.s32 $0x108;
	s8 =	sld [smem:$0x3FB6]  }
0x2e: {  	s3 =	simm.s32 @!p0 $0x1082;
	s9 =	sld [smem:$0x3FB7]  }
0x2f: {  	lr =	sadd.s32 s0, s3;
	s0 =	sld [smem:$0x3FAE]  }
0x30: {  	s3 =	sld [smem:$0x3FB1]  }
0x31: {  	[smem:$0x3FBA] =	sst s10  }
0x32: {  	s10 =	sld [smem:$0x3FB8];
	_ =	sdelay $0x3  }
0x33: {  	p0 =	seq.s32 s10, $0x1;
	s10 =	sld [smem:$0x3FBA];
	_ =	sdelay $0x3  }
0x34: {  	[smem:$0x3FBA] =	sst s10  }
0x35: {  	s10 =	sld [smem:$0x3FB9];
	_ =	sdelay $0x3  }
0x36: {  	p1 =	seq.s32 s10, $0x1;
	s10 =	sld [smem:$0x3FBA];
	_ =	sdelay $0x3  }
0x37: {  	[smem:$0x3FBA] =	sst s10  }
0x38: {  	s10 =	sld [smem:$0x3FBB]  }
0x39: {  	_ = 	snop;
	(pc) =	sbr.ind lr, $3  }
0x3a: {  	_ = 	snop  }
0x3b: {  	_ = 	snop  }
0x3c: {  	p2 =	seq.s32 s10, $0x1;
	s10 =	sld [smem:$0x3FBA]  }
0x3d: {  	_ =	shalt  }
0x3e: {  	_ =	shalt  }
0x3f: {  	_ =	shalt  }
0x40: {  	_ =	shalt  }
0x41: {  	_ =	shalt  }
0x42: {  	_ =	shalt  }
0x43: {  	_ =	shalt  }
0x44: {  	_ =	shalt  }
0x45: {  	_ =	shalt  }
0x46: {  	_ =	shalt  }
0x47: {  	_ =	shalt  }
0x48: {  	_ =	shalt  }
0x49: {  	_ =	shalt  }
0x4a: {  	_ =	shalt  }
0x4b: {  	_ =	shalt  }
0x4c: {  	_ =	shalt  }
0x4d: {  	_ =	shalt  }
0x4e: {  	_ =	shalt  }
0x4f: {  	_ =	shalt  }
0x50: {  	_ =	shalt  }
0x51: {  	_ =	shalt  }
0x52: {  	_ =	shalt  }
0x53: {  	_ =	shalt  }
0x54: {  	_ =	shalt  }
0x55: {  	_ =	shalt  }
0x56: {  	_ =	shalt  }
0x57: {  	_ =	shalt  }
0x58: {  	_ =	shalt  }
0x59: {  	_ =	shalt  }
0x5a: {  	_ =	shalt  }
0x5b: {  	_ =	shalt  }
0x5c: {  	_ =	shalt  }
0x5d: {  	_ =	shalt  }
0x5e: {  	_ =	shalt  }
0x5f: {  	_ =	shalt  }
0x60: {  	_ =	shalt  }
0x61: {  	_ =	shalt  }
0x62: {  	_ =	shalt  }
0x63: {  	_ =	shalt  }
0x64: {  	_ =	shalt  }
0x65: {  	_ =	shalt  }
0x66: {  	_ =	shalt  }
0x67: {  	_ =	shalt  }
0x68: {  	_ =	shalt  }
0x69: {  	_ =	shalt  }
0x6a: {  	_ =	shalt  }
0x6b: {  	_ =	shalt  }
0x6c: {  	_ =	shalt  }
0x6d: {  	_ =	shalt  }
0x6e: {  	_ =	shalt  }
0x6f: {  	_ =	shalt  }
0x70: {  	_ =	shalt  }
0x71: {  	_ =	shalt  }
0x72: {  	_ =	shalt  }
0x73: {  	_ =	shalt  }
0x74: {  	_ =	shalt  }
0x75: {  	_ =	shalt  }
0x76: {  	_ =	shalt  }
0x77: {  	_ =	shalt  }
0x78: {  	_ =	shalt  }
0x79: {  	_ =	shalt  }
0x7a: {  	_ =	shalt  }
0x7b: {  	_ =	shalt  }
0x7c: {  	_ =	shalt  }
0x7d: {  	_ =	shalt  }
0x7e: {  	_ =	shalt  }
0x7f: {  	_ =	shalt  }
0x80: {  	_ =	shalt  }
0x81: {  	_ =	shalt  }
0x82: {  	_ =	shalt  }
0x83: {  	_ =	shalt  }
0x84: {  	_ =	shalt  }
0x85: {  	_ =	shalt  }
0x86: {  	_ =	shalt  }
0x87: {  	_ =	shalt  }
.Lfunc_end0:
.L_simem_size_0:
called_computation_lowered:
.L_overlay_start_0:
0x88: {  	s2 =	sld [smem:$0x3FD9]  }
0x89: {  	s3 =	sld [smem:$0x3FFE];
	_ =	sdelay $0x1  }
0x8a: {  	s1 =	srdreg.scid  }
0x8b: {  	s0 =	sand.u32 $0x1, s1  }
0x8c: {  	s17 =	sshll.u32 s0, $0xA;
	s2 =	sadd.s32 s3, s2  }
0x8d: {  	s2 =	sadd.s32 s2, s17  }
0x8e: {  	[smem:$0x3FC6] =	sst s2  }
0x8f: {  	_ = 	snop  }
0x90: {  	s2 =	sld [smem:$0x3FC9]  }
0x91: {  	s18 =	sld [smem:$0x3FD0];
	(tm) =	ssettm $0x1  }
0x92: {  	s4 =	sld [smem:$0x3FFB];
	_ =	sdelay $0x3  }
0x93: {  	_ =	strace s4  }
0x94: {  	s4 =	sld [smem:$0x3FFC];
	_ =	sdelay $0x3  }
0x95: {  	_ =	strace s4  }
0x96: {  	s4 =	sld [smem:$0x3FFD];
	_ =	sdelay $0x3  }
0x97: {  	_ =	strace s4  }
0x98: {  	_ =	strace $0x8FFFFFFF  }
0x99: {  	s19 =	sld [smem:$0x3FDB];
	_ =	sdelay $0x1  }
0x9a: {  	s5 =	simm.s32 $_scs_section_size  }
0x9b: {  	s6 =	simm.s32 $_size__tile_overlayer_lowered;
	s7 =	simm.s32 $_tile_overlayer_lowered  }
0x9c: {  	s22 =	simm.s32 $0x1BFF;
	s21 =	sshll.u32 s7, $0x1;
	s4 =	sadd.s32 s5, s19  }
0x9d: {  	s8 =	simm.s32 $0x0;
	s20 =	sshll.u32 s6, $0x1;
	s6 =	sadd.s32 s21, s4  }
0x9e: {  	[timem:s8], [sflag:s22] =	dma.local [hbm:s6], s20  }
0x9f: {  	_ =	swait.ge [sflag:s22], s20  }
0xa0: {  	s5 =	ssub.s32 $0x0, s20;
	[sflag:s22] =	ssyncset.done $0x0  }
0xa1: {  	[sflag:s22] =	ssyncadd.s32 s5;
	_ =	sdelay $0x1  }
0xa2: {  	s23 =	simm.s32 $0x1B8B  }
0xa3: {  	_ =	swait.ge [sflag:s23], $0x1  }
0xa4: {  	[sflag:s23] =	ssyncset.done $0x0  }
0xa5: {  	s25 =	simm.s32 $0x1B8E;
	s24 =	sld [smem:$0x3FFE];
	[sflag:s23] =	ssyncadd.s32 $0xFFFFFFFF  }
0xa6: {  	s26 =	simm.s32 $execute0_lowered;
	[smem:$0x3FD2] =	sst s25  }
0xa7: {  	s6 =	sshll.u32 s26, $0x1;
	_ =	strace $0x80000046;
	[dreg:$0x1] =	wrdreg $0xFFFFFFFF  }
0xa8: {  	s28 =	simm.s32 $_size_execute0_lowered;
	s4 =	sadd.s32 s4, s6;
	[dreg:$0x0] =	wrdreg $0x0  }
0xa9: {  	s6 =	sshll.u32 s28, $0x1;
	[dreg:$0x2] =	wrdreg s4  }
0xaa: {  	[dreg:$0x3] =	wrdreg s6  }
0xab: {  	[dreg:$0x4] =	wrdreg $0xC0  }
0xac: {  	_ =	task [dreg:s8], $0x5FFFF  }
0xad: {  	[dreg:$0x1] =	wrdreg $0xFFFFFFFF  }
0xae: {  	[dreg:$0x0] =	wrdreg $0x60  }
0xaf: {  	[dreg:$0x2] =	wrdreg s2  }
0xb0: {  	[dreg:$0x3] =	wrdreg s24  }
0xb1: {  	[dreg:$0x4] =	wrdreg s18  }
0xb2: {  	[dreg:$0x5] =	wrdreg $0x9  }
0xb3: {  	_ =	task.clear_ibuf [dreg:s8], $0x6FFFF;
	_ =	strace $0x90000046  }
0xb4: {  	s29 =	simm.s32 $0x9;
	_ =	strace $0x80000048  }
0xb5: {  	_ =	swait.ge [sflag:s29], $0x1  }
0xb6: {  	[sflag:s29] =	ssyncadd.s32 $0xFFFFFFFF  }
0xb7: {  	_ =	strace $0x90000048  }
0xb8: {  	_ =	sfence  }
0xb9: {  	s30 =	sld [smem:$0x0];
	_ =	sdelay $0x2  }
0xba: {  	s31 =	sshll.u32 s1, $0xD;
	s1 =	sshrl.u32 s1, $0x2  }
0xbb: {  	s3 =	sand.u32 $0x4000, s31;
	s1 =	sadd.s32 s1, s30  }
0xbc: {  	s0 =	sor.u32 s3, s0;
	s1 =	sshll.u32 s1, $0x11  }
0xbd: {  	s0 =	sor.u32 s1, s0  }
0xbe: {  	s0 =	sadd.s32 $0x8F2B, s0  }
0xbf: {  	[sflag:s0] =	ssyncadd.remote.s32 $0x1  }
0xc0: {  	_ =	sfence.sel $0xFFFF  }
0xc1: {  	[dreg:$0x0] =	wrdreg $0xFFFFFFFF;
	(pc) =	sbr.abs _section_cstart, $3  }
0xc2: {  	[dreg:$0x1] =	wrdreg $0xFFFFFFFF  }
0xc3: {  	_ =	task.clear_ibuf [dreg:s8], $0x2FFFF;
	_ =	strace $0x9FFFFFFF  }
0xc4: {  	(tm) =	ssettm $0x7FFFFFFF  }
0xc5: {  	_ =	shalt  }
tec
execute0_lowered:
.L_overlay_start_1:
0x0: {  	(tag) =	ssettag $0x1  }
0x1: {  	s1 =	rddreg [dreg:$0x0]  }
0x2: {  	s0 =	srdreg.scid;
	s2 =	rddreg [dreg:$0x1]  }
0x3: {  	s6 =	stileid.u32;
	s3 =	rddreg [dreg:$0x2]  }
0x4: {  	s5 =	simm.s32 $0x1;
	s15 =	simm.s32 $0x2;
	s0 =	sand.u32 $0x1, s0  }
0x5: {  	s17 =	simm.s32 $0x3;
	s18 =	simm.s32 $0x5;
	s4 =	sor.u32 s0, s6  }
0x6: {  	s19 =	simm.s32 $0x16000;
	p1 =	seq.s32 s0, $0x1;
	p0 =	seq.s32 s4, $0x0  }
0x7: {  	s7 =	ssub.s32 $0x2, s0;
	s9 =	sshll.u32 s0, $0xF;
	p0 =	por !p0, !p1  }
0x8: {  	s10 =	sshll.u32 s0, $0x2;
	s4 =	simm.s32 $0x0;
	p0 =	por !p0, !p0  }
0x9: {  	s8 =	sshrl.u32 s7, $0x1;
	s29 =	sadd.s32 s1, s9;
	s5 =	simm.s32 @!p0 $0x0  }
0xa: {  	[smem:$0x7FF] =	sst s4;
	s28 =	ssub.s32 s7, s8;
	s5 =	ssub.s32 s6, s5  }
.Ltmp0:
0xb: {  	s30 =	sadd.s32 $0x400, s29;
	s6 =	sshll.u32 s5, $0xD;
	(pc) =	sbr.rel .LBB2_1-.Ltmp0, $4  }
0xc: {  	_ =	strace $0x80000047;
	[dreg:$0x4] =	wrdreg s29;
	s6 =	sand.u32 $0x1FFFE000, s6  }
0xd: {  	[dreg:$0x6] =	wrdreg s30;
	s31 =	smax.u32 s28, $0x1;
	s2 =	sadd.s32 s6, s2  }
0xe: {  	[dreg:$0x7] =	wrdreg s31;
	s9 =	sshll.u32 s5, $0x13;
	s2 =	sadd.s32 $0x400, s2  }
0xf: {  	s11 =	sor.u32 $0x2000, s9;
	[dreg:$0x5] =	wrdreg s2;
	s2 =	simm.s32 $0x0  }
.LBB2_12:
0x10: {  	s0 =	simm.s32 $0x4  }
0x11: {  	_ =	swait.ge [sflag:s0], $0x2000  }
0x12: {  	[sflag:s0] =	ssyncset.done $0x0  }
0x13: {  	[sflag:s0] =	ssyncadd.s32 $0xFFFFE000  }
0x14: {  	_ =	swait.ge [sflag:s18], $0x2000  }
0x15: {  	s2 =	rddreg [dreg:$0x8]  }
0x16: {  	s31 =	rddreg [dreg:$0x7];
	s2 =	sadd.s32 $0x1, s2  }
0x17: {  	p0 =	sne.s32 s2, s31  }
.Ltmp1:
0x18: {  	_ = 	snop;
	(pc) =	sbr.rel @!p0 .LBB2_13-.Ltmp1, $3  }
0x19: {  	_ =	sdelay $0x1  }
0x1a: {  	[sflag:s18] =	ssyncset.done $0x0  }
0x1b: {  	[sflag:s18] =	ssyncadd.s32 $0xFFFFE000  }
.LBB2_1:
0x1c: {  	[dreg:$0x8] =	wrdreg s2  }
0x1d: {  	s0 =	rddreg [dreg:$0x5]  }
0x1e: {  	[tilespmem:s4], [sflag:$0x1] =	stream.linear.gather [hbm4b:s0+s4], $0x10000, $0x38;
	[tilespmem:$0x18000] =	vst v63  }
0x1f: {  	s26 =	rddreg [dreg:$0x4];
	s28 =	simm.s32 $0x10000  }
0x20: {  	[tilespmem:s28], [sflag:$0x2] =	stream.linear.gather [hbm4b:s26+s4], $0x2000, $0x38;
	[tilespmem:$0x18000] =	vst v63  }
0x21: {  	s29 =	rddreg [dreg:$0x6];
	s30 =	simm.s32 $0x12000;
	s31 =	simm.s32 $0x1  }
0x22: {  	[tilespmem:s30], [sflag:$0x3] =	stream.linear.gather [hbm4b:s29+s4], $0x2000, $0x38;
	[tilespmem:$0x18000] =	vst v63  }
0x23: {  	_ =	swait.ge [sflag:s31], $0x10000  }
0x24: {  	[sflag:s31] =	ssyncset.done $0x0  }
0x25: {  	s22 =	simm.s32 $0x0;
	[sflag:s31] =	ssyncadd.s32 $0xFFFF0000  }
.LBB2_2:
0x26: {  	_ =	swait.ge [sflag:s15], $0x2000  }
0x27: {  	p0 =	seq.s32 s22, $0x0;
	[sflag:s15] =	ssyncset.done $0x0  }
0x28: {  	s0 =	simm.s32 @!p0 $0x4;
	[sflag:s15] =	ssyncadd.s32 $0xFFFFE000  }
0x29: {  	s7 =	simm.s32 $0x0;
	s8 =	simm.s32 $0x0;
	_ =	swait.ge @!p0 [sflag:s0], $0x2000  }
0x2a: {  	s2 =	sand.u32 $0x60, s8;
	s5 =	sand.u32 $0x1C00, s7;
	[sflag:s0] =	ssyncset.done @!p0 $0x0  }
0x2b: {  	s20 =	sor.u32 s2, s5;
	[sflag:s0] =	ssyncadd.s32 @!p0 $0xFFFFE000  }
0x2c: {  	v0 =	vld [tilespmem:s20+$0x10010];
	_ =	sdelay $0x5  }
0x2d: {  	v1 =	vld [tilespmem:s20+$0x10090]  }
0x2e: {  	v2 =	vld [tilespmem:s20+$0x10000]  }
0x2f: {  	v0 =	vld.idx.msk [tilespmem:v0+s4+$0x0], $0xffff;
	_ =	sdelay $0x3  }
0x30: {  	v3 =	vld [tilespmem:s20+$0x10110]  }
0x31: {  	v4 =	vld [tilespmem:s20+$0x10080];
	[tilespmem:s20+$0x14010] =	vst v0  }
0x32: {  	v0 =	vld.idx.msk [tilespmem:v1+s4+$0x0], $0xffff  }
0x33: {  	v1 =	vld.idx.msk [tilespmem:v2+s4+$0x0], $0xffff;
	_ =	sdelay $0x2  }
0x34: {  	v2 =	vld [tilespmem:s20+$0x10190]  }
0x35: {  	v5 =	vld [tilespmem:s20+$0x10100];
	[tilespmem:s20+$0x14090] =	vst v0  }
0x36: {  	[tilespmem:s20+$0x14000] =	vst v1;
	v0 =	vld.idx.msk [tilespmem:v3+s4+$0x0], $0xffff  }
0x37: {  	v1 =	vld.idx.msk [tilespmem:v4+s4+$0x0], $0xffff  }
0x38: {  	v6 =	vld [tilespmem:s20+$0x10200]  }
0x39: {  	v7 =	vld [tilespmem:s20+$0x10290]  }
0x3a: {  	v4 =	vld [tilespmem:s20+$0x10210]  }
0x3b: {  	s2 =	simm.s32 $0x100;
	s0 =	simm.s32 $0x20;
	v3 =	vld [tilespmem:s20+$0x10180];
	[tilespmem:s20+$0x14110] =	vst v0  }
0x3c: {  	s6 =	sand.u32 $0x1C00, s2;
	s24 =	sand.u32 $0x60, s0;
	[tilespmem:s20+$0x14080] =	vst v1;
	v0 =	vld.idx.msk [tilespmem:v2+s4+$0x0], $0xffff  }
0x3d: {  	s6 =	sor.u32 s24, s6;
	v1 =	vld.idx.msk [tilespmem:v5+s4+$0x0], $0xffff  }
0x3e: {  	v2 =	vld [tilespmem:s6+$0x10010]  }
0x3f: {  	v8 =	vld [tilespmem:s6+$0x10000]  }
0x40: {  	v9 =	vld [tilespmem:s6+$0x10100]  }
0x41: {  	v10 =	vld [tilespmem:s6+$0x10180];
	[tilespmem:s20+$0x14190] =	vst v0  }
0x42: {  	[tilespmem:s20+$0x14100] =	vst v1;
	v0 =	vld.idx.msk [tilespmem:v4+s4+$0x0], $0xffff  }
0x43: {  	v1 =	vld.idx.msk [tilespmem:v3+s4+$0x0], $0xffff  }
0x44: {  	v3 =	vld [tilespmem:s6+$0x10090]  }
0x45: {  	v5 =	vld [tilespmem:s20+$0x10280]  }
0x46: {  	v2 =	vld.idx.msk [tilespmem:v2+s4+$0x0], $0xffff  }
0x47: {  	v4 =	vld [tilespmem:s6+$0x10080];
	[tilespmem:s20+$0x14210] =	vst v0  }
0x48: {  	s25 =	sand.u32 $0x3, s7;
	v0 =	vld.idx.msk [tilespmem:v7+s4+$0x0], $0xffff  }
0x49: {  	s5 =	sshll.u32 s25, $0x5;
	v7 =	vld.idx.msk [tilespmem:v8+s4+$0x0], $0xffff  }
0x4a: {  	s12 =	simm.s32 $0x200;
	s21 =	sadd.s32 $0x0, s5;
	s5 =	simm.s32 $0x40;
	[tilespmem:s20+$0x14180] =	vst v1;
	v8 =	vld [tilespmem:s6+$0x10110]  }
0x4b: {  	s26 =	sand.u32 $0x60, s5;
	s24 =	sand.u32 $0x1C00, s12;
	[tilespmem:s6+$0x14010] =	vst v2;
	v2 =	vld.idx.msk [tilespmem:v6+s4+$0x0], $0xffff  }
0x4c: {  	s23 =	sadd.s32 $0x10, s21;
	s24 =	sor.u32 s26, s24;
	v1 =	vld.idx.msk [tilespmem:v3+s4+$0x0], $0xffff  }
0x4d: {  	s25 =	sor.u32 $0x300, s23;
	v11 =	vld [tilespmem:s24+$0x10100];
	[tilespmem:s20+$0x14290] =	vst v0  }
0x4e: {  	[tilespmem:s6+$0x14000] =	vst v7;
	v0 =	vld [tilespmem:s25+$0x10000]  }
0x4f: {  	v3 =	vld.idx.msk [tilespmem:v4+s4+$0x0], $0xffff  }
0x50: {  	s28 =	simm.s32 $0x60;
	s29 =	simm.s32 $0x300;
	v4 =	vld [tilespmem:s6+$0x10190];
	[tilespmem:s20+$0x14200] =	vst v2  }
0x51: {  	s14 =	sand.u32 $0x60, s28;
	s16 =	sand.u32 $0x1C00, s29;
	[tilespmem:s6+$0x14090] =	vst v1;
	v2 =	vld.idx.msk [tilespmem:v5+s4+$0x0], $0xffff  }
0x52: {  	s26 =	sor.u32 s14, s16;
	v1 =	vld.idx.msk [tilespmem:v8+s4+$0x0], $0xffff  }
0x53: {  	v13 =	vld [tilespmem:s26+$0x10090]  }
0x54: {  	v6 =	vld [tilespmem:s6+$0x10200]  }
0x55: {  	v5 =	vld [tilespmem:s6+$0x10280];
	[tilespmem:s6+$0x14080] =	vst v3  }
0x56: {  	v3 =	vld.idx.msk [tilespmem:v9+s4+$0x0], $0xffff;
	[tilespmem:s20+$0x14280] =	vst v2  }
0x57: {  	s21 =	sor.u32 $0x300, s21;
	[tilespmem:s6+$0x14110] =	vst v1;
	v1 =	vld [tilespmem:s6+$0x10210]  }
0x58: {  	v2 =	vld [tilespmem:s21+$0x10000]  }
0x59: {  	v0 =	vld.idx.msk [tilespmem:v0+s4+$0x0], $0xffff  }
0x5a: {  	v4 =	vld.idx.msk [tilespmem:v4+s4+$0x0], $0xffff  }
0x5b: {  	v8 =	vld [tilespmem:s24+$0x10000]  }
0x5c: {  	v9 =	vld [tilespmem:s24+$0x10080]  }
0x5d: {  	[tilespmem:s6+$0x14100] =	vst v3;
	v3 =	vld [tilespmem:s24+$0x10010]  }
0x5e: {  	v7 =	vld.idx.msk [tilespmem:v10+s4+$0x0], $0xffff;
	[tilespmem:s25+$0x14000] =	vst v0  }
0x5f: {  	s23 =	sor.u32 $0x380, s23;
	[tilespmem:s6+$0x14190] =	vst v4;
	v4 =	vld [tilespmem:s6+$0x10290]  }
0x60: {  	v0 =	vld [tilespmem:s23+$0x10000]  }
0x61: {  	v1 =	vld.idx.msk [tilespmem:v1+s4+$0x0], $0xffff  }
0x62: {  	v2 =	vld.idx.msk [tilespmem:v2+s4+$0x0], $0xffff  }
0x63: {  	v10 =	vld [tilespmem:s24+$0x10090]  }
0x64: {  	[tilespmem:s6+$0x14180] =	vst v7;
	v7 =	vld [tilespmem:s24+$0x10200]  }
0x65: {  	v6 =	vld.idx.msk [tilespmem:v6+s4+$0x0], $0xffff  }
0x66: {  	v3 =	vld.idx.msk [tilespmem:v3+s4+$0x0], $0xffff;
	[tilespmem:s6+$0x14210] =	vst v1  }
0x67: {  	[tilespmem:s21+$0x14000] =	vst v2;
	v2 =	vld [tilespmem:s24+$0x10210]  }
0x68: {  	v1 =	vld.idx.msk [tilespmem:v4+s4+$0x0], $0xffff  }
0x69: {  	s13 =	simm.s32 $0x1;
	v12 =	vld.idx.msk [tilespmem:v0+s4+$0x0], $0xffff  }
0x6a: {  	s20 =	sand.u32 $0x3, s13;
	v0 =	vld.idx.msk [tilespmem:v8+s4+$0x0], $0xffff  }
0x6b: {  	s20 =	sshll.u32 s20, $0x5;
	[tilespmem:s24+$0x14010] =	vst v3;
	v3 =	vld [tilespmem:s24+$0x10110]  }
0x6c: {  	s20 =	sadd.s32 $0x100, s20;
	v8 =	vld.idx.msk [tilespmem:v10+s4+$0x0], $0xffff  }
0x6d: {  	s30 =	sadd.s32 $0x10, s20;
	v4 =	vld [tilespmem:s24+$0x10180];
	[tilespmem:s6+$0x14200] =	vst v6  }
0x6e: {  	s31 =	sor.u32 $0x300, s30;
	v6 =	vld [tilespmem:s26+$0x10000];
	[tilespmem:s6+$0x14290] =	vst v1  }
0x6f: {  	[tilespmem:s24+$0x14000] =	vst v0;
	v0 =	vld [tilespmem:s31+$0x10000]  }
0x70: {  	s7 =	sor.u32 s7, s8;
	v1 =	vld.idx.msk [tilespmem:v9+s4+$0x0], $0xffff  }
0x71: {  	s25 =	sor.u32 $0x380, s7;
	[tilespmem:s24+$0x14090] =	vst v8;
	v8 =	vld [tilespmem:s24+$0x10190]  }
0x72: {  	v10 =	vld [tilespmem:s25+$0x10000]  }
0x73: {  	v3 =	vld.idx.msk [tilespmem:v3+s4+$0x0], $0xffff  }
0x74: {  	v9 =	vld [tilespmem:s24+$0x10280]  }
0x75: {  	[tilespmem:s24+$0x14080] =	vst v1;
	v1 =	vld.idx.msk [tilespmem:v5+s4+$0x0], $0xffff  }
0x76: {  	v5 =	vld.idx.msk [tilespmem:v11+s4+$0x0], $0xffff  }
0x77: {  	v6 =	vld.idx.msk [tilespmem:v6+s4+$0x0], $0xffff  }
0x78: {  	v0 =	vld.idx.msk [tilespmem:v0+s4+$0x0], $0xffff;
	[tilespmem:s24+$0x14110] =	vst v3  }
0x79: {  	v3 =	vld.idx.msk [tilespmem:v8+s4+$0x0], $0xffff  }
0x7a: {  	v8 =	vld [tilespmem:s26+$0x10080]  }
0x7b: {  	[tilespmem:s24+$0x14100] =	vst v5;
	v5 =	vld [tilespmem:s26+$0x10010]  }
0x7c: {  	v4 =	vld.idx.msk [tilespmem:v4+s4+$0x0], $0xffff  }
0x7d: {  	v11 =	vld [tilespmem:s26+$0x10100];
	[tilespmem:s6+$0x14280] =	vst v1  }
0x7e: {  	s8 =	sor.u32 $0x300, s20;
	[tilespmem:s24+$0x14190] =	vst v3;
	v3 =	vld [tilespmem:s24+$0x10290]  }
0x7f: {  	v1 =	vld [tilespmem:s8+$0x10000]  }
0x80: {  	s21 =	sor.u32 $0x380, s30;
	[tilespmem:s31+$0x14000] =	vst v0;
	v2 =	vld.idx.msk [tilespmem:v2+s4+$0x0], $0xffff  }
0x81: {  	v0 =	vld [tilespmem:s21+$0x10000];
	[tilespmem:s24+$0x14180] =	vst v4  }
0x82: {  	[tilespmem:s26+$0x14000] =	vst v6;
	v6 =	vld.idx.msk [tilespmem:v7+s4+$0x0], $0xffff  }
0x83: {  	v5 =	vld.idx.msk [tilespmem:v5+s4+$0x0], $0xffff  }
0x84: {  	v8 =	vld.idx.msk [tilespmem:v8+s4+$0x0], $0xffff  }
0x85: {  	v7 =	vld [tilespmem:s26+$0x10190];
	[tilespmem:s24+$0x14210] =	vst v2  }
0x86: {  	s7 =	simm.s32 $0x2;
	v2 =	vld.idx.msk [tilespmem:v3+s4+$0x0], $0xffff  }
0x87: {  	s20 =	sand.u32 $0x3, s7;
	v1 =	vld.idx.msk [tilespmem:v1+s4+$0x0], $0xffff  }
0x88: {  	s6 =	sshll.u32 s20, $0x5;
	[tilespmem:s26+$0x14010] =	vst v5;
	v5 =	vld [tilespmem:s26+$0x10110]  }
0x89: {  	s13 =	sadd.s32 $0x200, s6;
	v14 =	vld.idx.msk [tilespmem:v0+s4+$0x0], $0xffff  }
0x8a: {  	s6 =	sadd.s32 $0x10, s13;
	v4 =	vld.idx.msk [tilespmem:v13+s4+$0x0], $0xffff  }
0x8b: {  	s20 =	sor.u32 $0x300, s6;
	v0 =	vld [tilespmem:s26+$0x10200];
	[tilespmem:s24+$0x14290] =	vst v2  }
0x8c: {  	v63 =	vld [tilespmem:s20+$0x10000]  }
0x8d: {  	v3 =	vld [tilespmem:s26+$0x10180];
	[tilespmem:s24+$0x14200] =	vst v6  }
0x8e: {  	[tilespmem:s26+$0x14080] =	vst v8;
	v6 =	vld.idx.msk [tilespmem:v9+s4+$0x0], $0xffff  }
0x8f: {  	v8 =	vld.idx.msk [tilespmem:v11+s4+$0x0], $0xffff;
	[tilespmem:s26+$0x14090] =	vst v4  }
0x90: {  	s0 =	sor.u32 s2, s0;
	v15 =	vld.idx.msk [tilespmem:v5+s4+$0x0], $0xffff  }
0x91: {  	s30 =	sor.u32 $0x380, s0;
	[tilespmem:s8+$0x14000] =	vst v1;
	v9 =	vld [tilespmem:s26+$0x10210]  }
0x92: {  	v1 =	vld [tilespmem:s30+$0x10000]  }
0x93: {  	s12 =	sor.u32 s12, s5;
	s14 =	sshrl.u32 s22, $0x2;
	s16 =	sor.u32 s29, s28;
	[tilespmem:s23+$0x14000] =	vst v12;
	v4 =	vld.idx.msk [tilespmem:v10+s4+$0x0], $0xffff  }
0x94: {  	s2 =	sor.u32 $0x380, s16;
	s0 =	sor.u32 s10, s14;
	s23 =	sshll.u32 s22, $0x1;
	[tilespmem:s21+$0x14000] =	vst v14;
	v5 =	vld.idx.msk [tilespmem:v63+s4+$0x0], $0xffff  }
0x95: {  	s31 =	sor.u32 $0x380, s12;
	s12 =	simm.s32 $0x300;
	s8 =	sor.u32 $0x300, s13;
	v2 =	vld [tilespmem:s26+$0x10280];
	[tilespmem:s26+$0x14110] =	vst v15  }
.LBB2_3:
0x96: {  	s28 =	sadd.s32 $0x20, s28;
	v7 =	vld.idx.msk [tilespmem:v7+s4+$0x0], $0xffff;
	s29 =	sadd.s32 $0x100, s29;
	[tilespmem:s24+$0x14280] =	vst v6;
	s24 =	smov.u32 s26  }
0x97: {  	s5 =	sand.u32 $0x60, s28;
	s13 =	sand.u32 $0x1C00, s29;
	s21 =	sor.u32 s29, s28;
	[tilespmem:s24+$0x14100] =	vst v8;
	v6 =	vld [tilespmem:s8+$0x10000]  }
0x98: {  	p1 =	slt.u32 s28, $0x3E0;
	s26 =	sor.u32 s5, s13;
	s5 =	sor.u32 $0x380, s21;
	v3 =	vld.idx.msk [tilespmem:v3+s4+$0x0], $0xffff;
	[tilespmem:s25+$0x14000] =	vst v4  }
0x99: {  	s6 =	sor.u32 $0x380, s6;
	s25 =	smov.u32 s30;
	s30 =	smov.u32 s31;
	v4 =	vld [tilespmem:s26+$0x10010];
	[tilespmem:s20+$0x14000] =	vst v5  }
0x9a: {  	s31 =	smov.u32 s2;
	s2 =	smov.u32 s5;
	v5 =	vld [tilespmem:s6+$0x10000]  }
0x9b: {  	v8 =	vld [tilespmem:s26+$0x10000]  }
0x9c: {  	[tilespmem:s24+$0x14190] =	vst v7;
	v7 =	vld [tilespmem:s24+$0x10290]  }
0x9d: {  	v9 =	vld.idx.msk [tilespmem:v9+s4+$0x0], $0xffff  }
0x9e: {  	v10 =	vld [tilespmem:s26+$0x10080];
	[tilespmem:s24+$0x14180] =	vst v3  }
0x9f: {  	v11 =	vld [tilespmem:s26+$0x10100]  }
0xa0: {  	v12 =	vld [tilespmem:s26+$0x10090]  }
0xa1: {  	v4 =	vld.idx.msk [tilespmem:v4+s4+$0x0], $0xffff  }
0xa2: {  	v5 =	vld.idx.msk [tilespmem:v5+s4+$0x0], $0xffff  }
0xa3: {  	v8 =	vld.idx.msk [tilespmem:v8+s4+$0x0], $0xffff;
	[tilespmem:s24+$0x14210] =	vst v9  }
0xa4: {  	v7 =	vld.idx.msk [tilespmem:v7+s4+$0x0], $0xffff  }
0xa5: {  	s7 =	sadd.s32 $0x1, s7;
	v3 =	vld [tilespmem:s26+$0x10180]  }
0xa6: {  	s5 =	sand.u32 $0x3, s7;
	v9 =	vld [tilespmem:s26+$0x10200]  }
0xa7: {  	s5 =	sshll.u32 s5, $0x5;
	[tilespmem:s26+$0x14010] =	vst v4;
	v4 =	vld [tilespmem:s26+$0x10110]  }
0xa8: {  	s5 =	sadd.s32 s5, s12;
	s12 =	smov.u32 s29;
	v12 =	vld.idx.msk [tilespmem:v12+s4+$0x0], $0xffff;
	[tilespmem:s6+$0x14000] =	vst v5  }
0xa9: {  	s13 =	sor.u32 $0x300, s5;
	s6 =	sadd.s32 $0x10, s5;
	[tilespmem:s26+$0x14000] =	vst v8;
	v5 =	vld.idx.msk [tilespmem:v0+s4+$0x0], $0xffff  }
0xaa: {  	s20 =	sor.u32 $0x300, s6;
	v8 =	vld.idx.msk [tilespmem:v10+s4+$0x0], $0xffff;
	[tilespmem:s24+$0x14290] =	vst v7  }
0xab: {  	v10 =	vld [tilespmem:s20+$0x10000];
	v0 =	vmov v9  }
0xac: {  	v9 =	vld [tilespmem:s26+$0x10280]  }
0xad: {  	v13 =	vld.idx.msk [tilespmem:v6+s4+$0x0], $0xffff  }
0xae: {  	[tilespmem:s26+$0x14090] =	vst v12;
	v7 =	vld [tilespmem:s26+$0x10190]  }
0xaf: {  	v12 =	vld.idx.msk [tilespmem:v4+s4+$0x0], $0xffff;
	[tilespmem:s24+$0x14200] =	vst v5  }
0xb0: {  	[tilespmem:s26+$0x14080] =	vst v8;
	v6 =	vld.idx.msk [tilespmem:v2+s4+$0x0], $0xffff  }
.Ltmp2:
0xb1: {  	v8 =	vld.idx.msk [tilespmem:v11+s4+$0x0], $0xffff;
	v2 =	vmov v9;
	(pc) =	sbr.rel @p1 .LBB2_3-.Ltmp2, $4  }
0xb2: {  	v4 =	vld.idx.msk [tilespmem:v1+s4+$0x0], $0xffff  }
0xb3: {  	v5 =	vld.idx.msk [tilespmem:v10+s4+$0x0], $0xffff;
	[tilespmem:s8+$0x14000] =	vst v13;
	s8 =	smov.u32 s13  }
0xb4: {  	v1 =	vld [tilespmem:s30+$0x10000]  }
0xb5: {  	[tilespmem:s26+$0x14110] =	vst v12;
	v9 =	vld [tilespmem:s26+$0x10210]  }
0xb6: {  	_ =	sdelay $0x3  }
0xb7: {  	v7 =	vld.idx.msk [tilespmem:v7+s4+$0x0], $0xffff;
	[tilespmem:s26+$0x14100] =	vst v8  }
0xb8: {  	v3 =	vld.idx.msk [tilespmem:v3+s4+$0x0], $0xffff;
	_ =	sdelay $0x2  }
0xb9: {  	v59 =	vld [tilespmem:s26+$0x10290]  }
0xba: {  	[tilespmem:s26+$0x14190] =	vst v7  }
0xbb: {  	v60 =	vld.idx.msk [tilespmem:v9+s4+$0x0], $0xffff;
	[tilespmem:s26+$0x14180] =	vst v3  }
0xbc: {  	v0 =	vld.idx.msk [tilespmem:v0+s4+$0x0], $0xffff;
	_ =	sdelay $0x3  }
0xbd: {  	[tilespmem:s26+$0x14210] =	vst v60  }
0xbe: {  	s5 =	sadd.s32 $0x1, s7;
	v61 =	vld.idx.msk [tilespmem:v59+s4+$0x0], $0xffff;
	[tilespmem:s26+$0x14200] =	vst v0  }
0xbf: {  	s5 =	sand.u32 $0x3, s5;
	v0 =	vld.idx.msk [tilespmem:v2+s4+$0x0], $0xffff  }
0xc0: {  	s5 =	sshll.u32 s5, $0x5  }
0xc1: {  	s5 =	sadd.s32 s5, s12  }
0xc2: {  	[tilespmem:s24+$0x14280] =	vst v6;
	s21 =	sadd.s32 $0x10, s5  }
0xc3: {  	v63 =	vld [tilespmem:s8+$0x10000];
	s28 =	sor.u32 $0x300, s21;
	[tilespmem:s26+$0x14290] =	vst v61  }
0xc4: {  	s5 =	sor.u32 $0x300, s5;
	v62 =	vld [tilespmem:s28+$0x10000];
	[tilespmem:s26+$0x14280] =	vst v0  }
0xc5: {  	v0 =	vld [tilespmem:s5+$0x10000];
	_ =	sdelay $0x5  }
0xc6: {  	v3 =	vld.idx.msk [tilespmem:v63+s4+$0x0], $0xffff  }
0xc7: {  	v2 =	vld.idx.msk [tilespmem:v62+s4+$0x0], $0xffff  }
0xc8: {  	v0 =	vld.idx.msk [tilespmem:v0+s4+$0x0], $0xffff;
	_ =	sdelay $0x1  }
0xc9: {  	s6 =	sor.u32 $0x380, s6;
	[tilespmem:s20+$0x14000] =	vst v5  }
0xca: {  	v5 =	vld [tilespmem:s6+$0x10000];
	[tilespmem:s8+$0x14000] =	vst v3  }
0xcb: {  	s7 =	sor.u32 $0x380, s21;
	v3 =	vld [tilespmem:s31+$0x10000];
	[tilespmem:s28+$0x14000] =	vst v2  }
0xcc: {  	v2 =	vld [tilespmem:s7+$0x10000];
	[tilespmem:s5+$0x14000] =	vst v0  }
0xcd: {  	v0 =	vld [tilespmem:s2+$0x10000];
	_ =	sdelay $0x3  }
0xce: {  	v1 =	vld.idx.msk [tilespmem:v1+s4+$0x0], $0xffff  }
0xcf: {  	v5 =	vld.idx.msk [tilespmem:v5+s4+$0x0], $0xffff  }
0xd0: {  	v3 =	vld.idx.msk [tilespmem:v3+s4+$0x0], $0xffff  }
0xd1: {  	v2 =	vld.idx.msk [tilespmem:v2+s4+$0x0], $0xffff  }
0xd2: {  	s29 =	sshll.u32 s22, $0xE;
	[tilespmem:s25+$0x14000] =	vst v4;
	v0 =	vld.idx.msk [tilespmem:v0+s4+$0x0], $0xffff  }
0xd3: {  	p1 =	sne.s32 s22, $0xF;
	s24 =	sand.u32 $0xC000, s29;
	[tilespmem:s30+$0x14000] =	vst v1  }
.Ltmp3:
0xd4: {  	s25 =	sshll.u32 s0, $0x10;
	s30 =	sor.u32 s9, s24;
	[tilespmem:s6+$0x14000] =	vst v5;
	(pc) =	sbr.rel @p1 .LBB2_6-.Ltmp3, $4  }
0xd5: {  	s0 =	sor.u32 s25, s30;
	[tilespmem:s31+$0x14000] =	vst v3  }
0xd6: {  	s0 =	sshrl.u32 s0, $0x3;
	[tilespmem:s7+$0x14000] =	vst v2  }
0xd7: {  	s0 =	sadd.s32 s3, s0;
	s31 =	simm.s32 $0x14000;
	[tilespmem:s2+$0x14000] =	vst v0  }
0xd8: {  	[hbm4b:s0+s4] =	stream.linear.scatter [tilespmem:s31], [sflag:$0x4], $0x2000, $0x38;
	[tilespmem:$0x18000] =	vst v63  }
.Ltmp4:
0xd9: {  	(pc) =	sbr.rel .LBB2_7-.Ltmp4, $4  }
0xda: {  	_ = 	snop  }
0xdb: {  	_ =	swait.ge [sflag:s17], $0x2000  }
0xdc: {  	[sflag:s17] =	ssyncset.done $0x0  }
0xdd: {  	[sflag:s17] =	ssyncadd.s32 $0xFFFFE000  }
.LBB2_6:
0xde: {  	s0 =	sadd.s32 $0x2, s23  }
0xdf: {  	s2 =	sshrl.u32 s0, $0x3;
	s0 =	sshll.u32 s0, $0xA  }
0xe0: {  	s2 =	sadd.s32 s10, s2;
	s0 =	sand.u32 $0x1800, s0  }
0xe1: {  	s2 =	sshll.u32 s2, $0xD;
	s0 =	sadd.s32 s1, s0  }
.Ltmp5:
0xe2: {  	s31 =	simm.s32 $0x10000;
	s0 =	sadd.s32 s2, s0;
	(pc) =	sbr.rel @p0 .LBB2_8-.Ltmp5, $4  }
0xe3: {  	[tilespmem:s31], [sflag:$0x2] =	stream.linear.gather [hbm4b:s0+s4], $0x2000, $0x38;
	[tilespmem:$0x18000] =	vst v63  }
0xe4: {  	_ =	swait.ge [sflag:s17], $0x2000  }
0xe5: {  	[sflag:s17] =	ssyncset.done $0x0  }
0xe6: {  	[sflag:s17] =	ssyncadd.s32 $0xFFFFE000  }
.LBB2_7:
0xe7: {  	_ =	swait.ge [sflag:s18], $0x2000  }
0xe8: {  	[sflag:s18] =	ssyncset.done $0x0  }
0xe9: {  	[sflag:s18] =	ssyncadd.s32 $0xFFFFE000  }
.LBB2_8:
0xea: {  	s7 =	simm.s32 $0x0;
	s8 =	simm.s32 $0x0  }
0xeb: {  	s0 =	sand.u32 $0x60, s8;
	s2 =	sand.u32 $0x1C00, s7  }
0xec: {  	s20 =	sor.u32 s0, s2  }
0xed: {  	v0 =	vld [tilespmem:s20+$0x12010];
	_ =	sdelay $0x5  }
0xee: {  	v1 =	vld [tilespmem:s20+$0x12090]  }
0xef: {  	v2 =	vld [tilespmem:s20+$0x12000]  }
0xf0: {  	v0 =	vld.idx.msk [tilespmem:v0+s4+$0x0], $0xffff;
	_ =	sdelay $0x3  }
0xf1: {  	v3 =	vld [tilespmem:s20+$0x12110]  }
0xf2: {  	v4 =	vld [tilespmem:s20+$0x12080];
	[tilespmem:s20+$0x16010] =	vst v0  }
0xf3: {  	v0 =	vld.idx.msk [tilespmem:v1+s4+$0x0], $0xffff  }
0xf4: {  	v1 =	vld.idx.msk [tilespmem:v2+s4+$0x0], $0xffff;
	_ =	sdelay $0x1  }
0xf5: {  	v5 =	vld [tilespmem:s20+$0x12100]  }
0xf6: {  	v2 =	vld [tilespmem:s20+$0x12190]  }
0xf7: {  	v6 =	vld [tilespmem:s20+$0x12200];
	[tilespmem:s20+$0x16090] =	vst v0  }
0xf8: {  	s0 =	simm.s32 $0x20;
	s2 =	simm.s32 $0x100;
	[tilespmem:s20+$0x16000] =	vst v1;
	v0 =	vld.idx.msk [tilespmem:v3+s4+$0x0], $0xffff  }
0xf9: {  	s5 =	sand.u32 $0x60, s0;
	s6 =	sand.u32 $0x1C00, s2;
	v1 =	vld.idx.msk [tilespmem:v4+s4+$0x0], $0xffff  }
0xfa: {  	v7 =	vld [tilespmem:s20+$0x12290];
	s5 =	sor.u32 s5, s6  }
0xfb: {  	v8 =	vld [tilespmem:s5+$0x12000]  }
0xfc: {  	v4 =	vld [tilespmem:s20+$0x12210]  }
0xfd: {  	v3 =	vld [tilespmem:s20+$0x12180];
	[tilespmem:s20+$0x16110] =	vst v0  }
0xfe: {  	s13 =	sand.u32 $0x3, s7;
	[tilespmem:s20+$0x16080] =	vst v1;
	v0 =	vld.idx.msk [tilespmem:v2+s4+$0x0], $0xffff  }
0xff: {  	s6 =	sshll.u32 s13, $0x5;
	v1 =	vld.idx.msk [tilespmem:v5+s4+$0x0], $0xffff  }
0x100: {  	s12 =	simm.s32 $0x200;
	s13 =	sadd.s32 $0x0, s6;
	s6 =	simm.s32 $0x40;
	v2 =	vld [tilespmem:s5+$0x12010]  }
0x101: {  	s26 =	sand.u32 $0x1C00, s12;
	v9 =	vld [tilespmem:s5+$0x12100];
	s14 =	sand.u32 $0x60, s6  }
0x102: {  	v10 =	vld [tilespmem:s5+$0x12180];
	s26 =	sor.u32 s14, s26  }
0x103: {  	v11 =	vld [tilespmem:s26+$0x12100];
	[tilespmem:s20+$0x16190] =	vst v0  }
0x104: {  	[tilespmem:s20+$0x16100] =	vst v1;
	v0 =	vld.idx.msk [tilespmem:v4+s4+$0x0], $0xffff  }
0x105: {  	v1 =	vld.idx.msk [tilespmem:v3+s4+$0x0], $0xffff  }
0x106: {  	v3 =	vld [tilespmem:s5+$0x12090]  }
0x107: {  	v5 =	vld [tilespmem:s20+$0x12280]  }
0x108: {  	v2 =	vld.idx.msk [tilespmem:v2+s4+$0x0], $0xffff  }
0x109: {  	v4 =	vld [tilespmem:s5+$0x12080];
	[tilespmem:s20+$0x16210] =	vst v0  }
0x10a: {  	v0 =	vld.idx.msk [tilespmem:v7+s4+$0x0], $0xffff  }
0x10b: {  	v7 =	vld.idx.msk [tilespmem:v8+s4+$0x0], $0xffff  }
0x10c: {  	[tilespmem:s20+$0x16180] =	vst v1;
	v8 =	vld [tilespmem:s5+$0x12110]  }
0x10d: {  	[tilespmem:s5+$0x16010] =	vst v2;
	v2 =	vld.idx.msk [tilespmem:v6+s4+$0x0], $0xffff  }
0x10e: {  	s21 =	sadd.s32 $0x10, s13;
	v1 =	vld.idx.msk [tilespmem:v3+s4+$0x0], $0xffff  }
0x10f: {  	s28 =	sor.u32 $0x2300, s21;
	v6 =	vld [tilespmem:s5+$0x12200];
	[tilespmem:s20+$0x16290] =	vst v0  }
0x110: {  	[tilespmem:s5+$0x16000] =	vst v7;
	v0 =	vld [tilespmem:s28+$0x10000]  }
0x111: {  	v3 =	vld.idx.msk [tilespmem:v4+s4+$0x0], $0xffff  }
0x112: {  	v4 =	vld [tilespmem:s5+$0x12190];
	[tilespmem:s20+$0x16200] =	vst v2  }
0x113: {  	[tilespmem:s5+$0x16090] =	vst v1;
	v2 =	vld.idx.msk [tilespmem:v5+s4+$0x0], $0xffff  }
0x114: {  	v1 =	vld.idx.msk [tilespmem:v8+s4+$0x0], $0xffff  }
0x115: {  	v8 =	vld [tilespmem:s26+$0x12000]  }
0x116: {  	v5 =	vld [tilespmem:s5+$0x12280];
	[tilespmem:s5+$0x16080] =	vst v3  }
0x117: {  	v3 =	vld.idx.msk [tilespmem:v9+s4+$0x0], $0xffff  }
0x118: {  	[tilespmem:s20+$0x16280] =	vst v2;
	v9 =	vld [tilespmem:s26+$0x12080]  }
0x119: {  	s13 =	sor.u32 $0x2300, s13;
	[tilespmem:s5+$0x16110] =	vst v1;
	v1 =	vld [tilespmem:s5+$0x12210]  }
0x11a: {  	v2 =	vld [tilespmem:s13+$0x10000]  }
0x11b: {  	v0 =	vld.idx.msk [tilespmem:v0+s4+$0x0], $0xffff  }
0x11c: {  	v4 =	vld.idx.msk [tilespmem:v4+s4+$0x0], $0xffff  }
0x11d: {  	v8 =	vld.idx.msk [tilespmem:v8+s4+$0x0], $0xffff  }
0x11e: {  	[tilespmem:s5+$0x16100] =	vst v3;
	v3 =	vld [tilespmem:s26+$0x12010]  }
0x11f: {  	v7 =	vld.idx.msk [tilespmem:v10+s4+$0x0], $0xffff  }
0x120: {  	v10 =	vld [tilespmem:s26+$0x12090];
	[tilespmem:s28+$0x14000] =	vst v0  }
0x121: {  	s21 =	sor.u32 $0x2380, s21;
	[tilespmem:s5+$0x16190] =	vst v4;
	v4 =	vld [tilespmem:s5+$0x12290]  }
0x122: {  	v0 =	vld [tilespmem:s21+$0x10000]  }
0x123: {  	v1 =	vld.idx.msk [tilespmem:v1+s4+$0x0], $0xffff  }
0x124: {  	[tilespmem:s26+$0x16000] =	vst v8;
	v2 =	vld.idx.msk [tilespmem:v2+s4+$0x0], $0xffff  }
0x125: {  	v8 =	vld.idx.msk [tilespmem:v9+s4+$0x0], $0xffff  }
0x126: {  	v9 =	vld [tilespmem:s26+$0x12190]  }
0x127: {  	v3 =	vld.idx.msk [tilespmem:v3+s4+$0x0], $0xffff  }
0x128: {  	[tilespmem:s5+$0x16180] =	vst v7;
	v7 =	vld [tilespmem:s26+$0x12200]  }
0x129: {  	v6 =	vld.idx.msk [tilespmem:v6+s4+$0x0], $0xffff;
	[tilespmem:s5+$0x16210] =	vst v1  }
0x12a: {  	[tilespmem:s13+$0x14000] =	vst v2;
	v2 =	vld [tilespmem:s26+$0x12210]  }
0x12b: {  	v1 =	vld.idx.msk [tilespmem:v4+s4+$0x0], $0xffff  }
0x12c: {  	[tilespmem:s26+$0x16010] =	vst v3;
	v3 =	vld [tilespmem:s26+$0x12110]  }
0x12d: {  	s16 =	simm.s32 $0x1;
	s7 =	sor.u32 s7, s8;
	v4 =	vld [tilespmem:s26+$0x12180]  }
0x12e: {  	s20 =	sand.u32 $0x3, s16;
	s28 =	sor.u32 $0x2380, s7;
	v10 =	vld.idx.msk [tilespmem:v10+s4+$0x0], $0xffff  }
0x12f: {  	s20 =	sshll.u32 s20, $0x5;
	[tilespmem:s26+$0x16080] =	vst v8;
	v8 =	vld [tilespmem:s28+$0x10000]  }
0x130: {  	s20 =	sadd.s32 $0x100, s20;
	[tilespmem:s5+$0x16200] =	vst v6;
	v6 =	vld.idx.msk [tilespmem:v11+s4+$0x0], $0xffff  }
0x131: {  	s14 =	sadd.s32 $0x10, s20;
	v0 =	vld.idx.msk [tilespmem:v0+s4+$0x0], $0xffff  }
0x132: {  	s30 =	simm.s32 $0x60;
	s31 =	simm.s32 $0x300;
	s16 =	sor.u32 $0x2300, s14;
	v5 =	vld.idx.msk [tilespmem:v5+s4+$0x0], $0xffff;
	[tilespmem:s5+$0x16290] =	vst v1  }
0x133: {  	s8 =	sand.u32 $0x60, s30;
	s13 =	sand.u32 $0x1C00, s31;
	v1 =	vld [tilespmem:s16+$0x10000];
	[tilespmem:s26+$0x16090] =	vst v10  }
0x134: {  	s29 =	sor.u32 s8, s13;
	v3 =	vld.idx.msk [tilespmem:v3+s4+$0x0], $0xffff  }
0x135: {  	[tilespmem:s26+$0x16100] =	vst v6;
	v6 =	vld [tilespmem:s29+$0x12010]  }
0x136: {  	v12 =	vld [tilespmem:s29+$0x12100]  }
0x137: {  	v13 =	vld [tilespmem:s29+$0x12090]  }
0x138: {  	s7 =	sor.u32 $0x2300, s20;
	v11 =	vld [tilespmem:s29+$0x12080];
	[tilespmem:s5+$0x16280] =	vst v5  }
0x139: {  	v5 =	vld [tilespmem:s7+$0x10000];
	[tilespmem:s26+$0x16110] =	vst v3  }
0x13a: {  	v3 =	vld.idx.msk [tilespmem:v9+s4+$0x0], $0xffff  }
0x13b: {  	v4 =	vld.idx.msk [tilespmem:v4+s4+$0x0], $0xffff  }
0x13c: {  	v1 =	vld.idx.msk [tilespmem:v1+s4+$0x0], $0xffff  }
0x13d: {  	v6 =	vld.idx.msk [tilespmem:v6+s4+$0x0], $0xffff  }
0x13e: {  	v9 =	vld [tilespmem:s29+$0x12000]  }
0x13f: {  	[tilespmem:s26+$0x16190] =	vst v3;
	v3 =	vld [tilespmem:s26+$0x12290]  }
0x140: {  	v10 =	vld [tilespmem:s26+$0x12280]  }
0x141: {  	v2 =	vld.idx.msk [tilespmem:v2+s4+$0x0], $0xffff  }
0x142: {  	s13 =	sor.u32 $0x2380, s14;
	v15 =	vld.idx.msk [tilespmem:v5+s4+$0x0], $0xffff;
	[tilespmem:s16+$0x14000] =	vst v1  }
0x143: {  	v1 =	vld [tilespmem:s13+$0x10000];
	[tilespmem:s29+$0x16010] =	vst v6  }
0x144: {  	[tilespmem:s26+$0x16180] =	vst v4;
	v4 =	vld.idx.msk [tilespmem:v13+s4+$0x0], $0xffff  }
0x145: {  	v6 =	vld [tilespmem:s29+$0x12110]  }
0x146: {  	s0 =	sor.u32 s2, s0;
	v9 =	vld.idx.msk [tilespmem:v9+s4+$0x0], $0xffff;
	[tilespmem:s26+$0x16210] =	vst v2  }
0x147: {  	s0 =	sor.u32 $0x2380, s0;
	s8 =	simm.s32 $0x2;
	[tilespmem:s7+$0x14000] =	vst v15;
	v2 =	vld.idx.msk [tilespmem:v3+s4+$0x0], $0xffff  }
0x148: {  	s14 =	sand.u32 $0x3, s8;
	[tilespmem:s21+$0x14000] =	vst v0;
	v0 =	vld [tilespmem:s0+$0x10000]  }
0x149: {  	s5 =	sshll.u32 s14, $0x5;
	[tilespmem:s29+$0x16090] =	vst v4;
	v4 =	vld.idx.msk [tilespmem:v8+s4+$0x0], $0xffff  }
0x14a: {  	s14 =	sadd.s32 $0x200, s5;
	v8 =	vld [tilespmem:s29+$0x12210]  }
0x14b: {  	s5 =	sadd.s32 $0x10, s14;
	[tilespmem:s29+$0x16000] =	vst v9;
	v9 =	vld.idx.msk [tilespmem:v7+s4+$0x0], $0xffff  }
0x14c: {  	s20 =	sor.u32 $0x2300, s5;
	v11 =	vld.idx.msk [tilespmem:v11+s4+$0x0], $0xffff;
	[tilespmem:s26+$0x16290] =	vst v2  }
0x14d: {  	v63 =	vld [tilespmem:s20+$0x10000]  }
0x14e: {  	v14 =	vld.idx.msk [tilespmem:v1+s4+$0x0], $0xffff  }
0x14f: {  	v7 =	vld [tilespmem:s29+$0x12190]  }
0x150: {  	v16 =	vld.idx.msk [tilespmem:v6+s4+$0x0], $0xffff  }
0x151: {  	v3 =	vld [tilespmem:s29+$0x12180];
	[tilespmem:s26+$0x16200] =	vst v9  }
0x152: {  	[tilespmem:s29+$0x16080] =	vst v11;
	v6 =	vld.idx.msk [tilespmem:v10+s4+$0x0], $0xffff  }
0x153: {  	v9 =	vld.idx.msk [tilespmem:v12+s4+$0x0], $0xffff  }
0x154: {  	v1 =	vld [tilespmem:s29+$0x12200]  }
0x155: {  	s21 =	sor.u32 s31, s30;
	s16 =	sor.u32 s12, s6;
	s12 =	sor.u32 $0x2300, s14;
	[tilespmem:s29+$0x16110] =	vst v16;
	v5 =	vld.idx.msk [tilespmem:v63+s4+$0x0], $0xffff  }
0x156: {  	s6 =	simm.s32 $0x300;
	s2 =	sor.u32 $0x2380, s16;
	s7 =	sor.u32 $0x2380, s21;
	[tilespmem:s13+$0x14000] =	vst v14;
	v2 =	vld [tilespmem:s29+$0x12280]  }
.LBB2_9:
0x157: {  	s30 =	sadd.s32 $0x20, s30;
	v7 =	vld.idx.msk [tilespmem:v7+s4+$0x0], $0xffff;
	s31 =	sadd.s32 $0x100, s31;
	[tilespmem:s26+$0x16280] =	vst v6;
	s26 =	smov.u32 s29  }
0x158: {  	s13 =	sand.u32 $0x60, s30;
	s14 =	sand.u32 $0x1C00, s31;
	s16 =	sor.u32 s31, s30;
	[tilespmem:s26+$0x16100] =	vst v9;
	v6 =	vld [tilespmem:s12+$0x10000]  }
0x159: {  	p0 =	slt.u32 s30, $0x3E0;
	s29 =	sor.u32 s13, s14;
	s13 =	sor.u32 $0x2380, s16;
	v3 =	vld.idx.msk [tilespmem:v3+s4+$0x0], $0xffff;
	[tilespmem:s28+$0x14000] =	vst v4  }
0x15a: {  	s5 =	sor.u32 $0x2380, s5;
	s28 =	smov.u32 s0;
	s0 =	smov.u32 s2;
	v4 =	vld [tilespmem:s29+$0x12010];
	[tilespmem:s20+$0x14000] =	vst v5  }
0x15b: {  	s2 =	smov.u32 s7;
	s7 =	smov.u32 s13;
	v5 =	vld [tilespmem:s5+$0x10000]  }
0x15c: {  	v9 =	vld [tilespmem:s29+$0x12000]  }
0x15d: {  	[tilespmem:s26+$0x16190] =	vst v7;
	v7 =	vld [tilespmem:s26+$0x12290]  }
0x15e: {  	v8 =	vld.idx.msk [tilespmem:v8+s4+$0x0], $0xffff  }
0x15f: {  	v10 =	vld [tilespmem:s29+$0x12080];
	[tilespmem:s26+$0x16180] =	vst v3  }
0x160: {  	v11 =	vld [tilespmem:s29+$0x12100]  }
0x161: {  	v12 =	vld [tilespmem:s29+$0x12090]  }
0x162: {  	v4 =	vld.idx.msk [tilespmem:v4+s4+$0x0], $0xffff  }
0x163: {  	v5 =	vld.idx.msk [tilespmem:v5+s4+$0x0], $0xffff  }
0x164: {  	v9 =	vld.idx.msk [tilespmem:v9+s4+$0x0], $0xffff;
	[tilespmem:s26+$0x16210] =	vst v8  }
0x165: {  	v7 =	vld.idx.msk [tilespmem:v7+s4+$0x0], $0xffff  }
0x166: {  	s8 =	sadd.s32 $0x1, s8;
	v3 =	vld [tilespmem:s29+$0x12180]  }
0x167: {  	s13 =	sand.u32 $0x3, s8;
	v8 =	vld [tilespmem:s29+$0x12200]  }
0x168: {  	s13 =	sshll.u32 s13, $0x5;
	[tilespmem:s29+$0x16010] =	vst v4;
	v4 =	vld [tilespmem:s29+$0x12110]  }
0x169: {  	s13 =	sadd.s32 s13, s6;
	s6 =	smov.u32 s31;
	v12 =	vld.idx.msk [tilespmem:v12+s4+$0x0], $0xffff;
	[tilespmem:s5+$0x14000] =	vst v5  }
0x16a: {  	s14 =	sor.u32 $0x2300, s13;
	s5 =	sadd.s32 $0x10, s13;
	[tilespmem:s29+$0x16000] =	vst v9;
	v5 =	vld.idx.msk [tilespmem:v1+s4+$0x0], $0xffff  }
0x16b: {  	s20 =	sor.u32 $0x2300, s5;
	v9 =	vld.idx.msk [tilespmem:v10+s4+$0x0], $0xffff;
	[tilespmem:s26+$0x16290] =	vst v7  }
0x16c: {  	v10 =	vld [tilespmem:s20+$0x10000];
	v1 =	vmov v8  }
0x16d: {  	v8 =	vld [tilespmem:s29+$0x12280]  }
0x16e: {  	v13 =	vld.idx.msk [tilespmem:v6+s4+$0x0], $0xffff  }
0x16f: {  	[tilespmem:s29+$0x16090] =	vst v12;
	v7 =	vld [tilespmem:s29+$0x12190]  }
0x170: {  	v12 =	vld.idx.msk [tilespmem:v4+s4+$0x0], $0xffff;
	[tilespmem:s26+$0x16200] =	vst v5  }
0x171: {  	[tilespmem:s29+$0x16080] =	vst v9;
	v6 =	vld.idx.msk [tilespmem:v2+s4+$0x0], $0xffff  }
.Ltmp6:
0x172: {  	v9 =	vld.idx.msk [tilespmem:v11+s4+$0x0], $0xffff;
	v2 =	vmov v8;
	(pc) =	sbr.rel @p0 .LBB2_9-.Ltmp6, $4  }
0x173: {  	v4 =	vld.idx.msk [tilespmem:v0+s4+$0x0], $0xffff  }
0x174: {  	v5 =	vld.idx.msk [tilespmem:v10+s4+$0x0], $0xffff;
	[tilespmem:s12+$0x14000] =	vst v13;
	s12 =	smov.u32 s14  }
0x175: {  	v0 =	vld [tilespmem:s0+$0x10000]  }
0x176: {  	[tilespmem:s29+$0x16110] =	vst v12;
	v8 =	vld [tilespmem:s29+$0x12210]  }
0x177: {  	_ =	sdelay $0x3  }
0x178: {  	v7 =	vld.idx.msk [tilespmem:v7+s4+$0x0], $0xffff;
	[tilespmem:s29+$0x16100] =	vst v9  }
0x179: {  	v3 =	vld.idx.msk [tilespmem:v3+s4+$0x0], $0xffff;
	_ =	sdelay $0x2  }
0x17a: {  	v60 =	vld [tilespmem:s29+$0x12290]  }
0x17b: {  	[tilespmem:s29+$0x16190] =	vst v7  }
0x17c: {  	v8 =	vld.idx.msk [tilespmem:v8+s4+$0x0], $0xffff;
	[tilespmem:s29+$0x16180] =	vst v3  }
0x17d: {  	v1 =	vld.idx.msk [tilespmem:v1+s4+$0x0], $0xffff;
	_ =	sdelay $0x3  }
0x17e: {  	[tilespmem:s29+$0x16210] =	vst v8  }
0x17f: {  	s8 =	sadd.s32 $0x1, s8;
	v61 =	vld.idx.msk [tilespmem:v60+s4+$0x0], $0xffff;
	[tilespmem:s29+$0x16200] =	vst v1  }
0x180: {  	s8 =	sand.u32 $0x3, s8;
	v1 =	vld.idx.msk [tilespmem:v2+s4+$0x0], $0xffff  }
0x181: {  	s8 =	sshll.u32 s8, $0x5  }
0x182: {  	s6 =	sadd.s32 s8, s6  }
0x183: {  	[tilespmem:s26+$0x16280] =	vst v6;
	s8 =	sadd.s32 $0x10, s6  }
0x184: {  	v63 =	vld [tilespmem:s12+$0x10000];
	s13 =	sor.u32 $0x2300, s8;
	[tilespmem:s29+$0x16290] =	vst v61  }
0x185: {  	s6 =	sor.u32 $0x2300, s6;
	v62 =	vld [tilespmem:s13+$0x10000];
	[tilespmem:s29+$0x16280] =	vst v1  }
0x186: {  	v1 =	vld [tilespmem:s6+$0x10000];
	_ =	sdelay $0x5  }
0x187: {  	v3 =	vld.idx.msk [tilespmem:v63+s4+$0x0], $0xffff  }
0x188: {  	v2 =	vld.idx.msk [tilespmem:v62+s4+$0x0], $0xffff  }
0x189: {  	v1 =	vld.idx.msk [tilespmem:v1+s4+$0x0], $0xffff;
	_ =	sdelay $0x1  }
0x18a: {  	s5 =	sor.u32 $0x2380, s5;
	[tilespmem:s20+$0x14000] =	vst v5  }
0x18b: {  	v5 =	vld [tilespmem:s5+$0x10000];
	[tilespmem:s12+$0x14000] =	vst v3  }
0x18c: {  	s8 =	sor.u32 $0x2380, s8;
	v3 =	vld [tilespmem:s2+$0x10000];
	[tilespmem:s13+$0x14000] =	vst v2  }
0x18d: {  	v2 =	vld [tilespmem:s8+$0x10000];
	[tilespmem:s6+$0x14000] =	vst v1  }
0x18e: {  	v1 =	vld [tilespmem:s7+$0x10000];
	_ =	sdelay $0x3  }
0x18f: {  	v0 =	vld.idx.msk [tilespmem:v0+s4+$0x0], $0xffff  }
0x190: {  	v5 =	vld.idx.msk [tilespmem:v5+s4+$0x0], $0xffff  }
0x191: {  	v3 =	vld.idx.msk [tilespmem:v3+s4+$0x0], $0xffff  }
0x192: {  	v2 =	vld.idx.msk [tilespmem:v2+s4+$0x0], $0xffff  }
0x193: {  	[tilespmem:s28+$0x14000] =	vst v4;
	v1 =	vld.idx.msk [tilespmem:v1+s4+$0x0], $0xffff  }
0x194: {  	p0 =	seq.s32 s22, $0xF;
	[tilespmem:s0+$0x14000] =	vst v0  }
.Ltmp7:
0x195: {  	s31 =	sor.u32 s11, s24;
	[tilespmem:s5+$0x14000] =	vst v5;
	(pc) =	sbr.rel @p0 .LBB2_12-.Ltmp7, $4  }
0x196: {  	s0 =	sor.u32 s25, s31;
	[tilespmem:s2+$0x14000] =	vst v3  }
0x197: {  	s0 =	sshrl.u32 s0, $0x3;
	[tilespmem:s8+$0x14000] =	vst v2  }
0x198: {  	s0 =	sadd.s32 s3, s0;
	[tilespmem:s7+$0x14000] =	vst v1  }
0x199: {  	[hbm4b:s0+s4] =	stream.linear.scatter [tilespmem:s19], [sflag:$0x5], $0x2000, $0x38;
	[tilespmem:$0x18000] =	vst v63  }
0x19a: {  	s0 =	sadd.s32 $0x3, s23  }
.Ltmp8:
0x19b: {  	s2 =	sshrl.u32 s0, $0x3;
	s0 =	sshll.u32 s0, $0xA;
	(pc) =	sbr.rel .LBB2_2-.Ltmp8, $4  }
0x19c: {  	s2 =	sadd.s32 s10, s2;
	s0 =	sand.u32 $0x1C00, s0  }
0x19d: {  	s2 =	sshll.u32 s2, $0xD;
	s0 =	sadd.s32 s1, s0  }
0x19e: {  	s31 =	simm.s32 $0x12000;
	s22 =	sadd.s32 $0x1, s22;
	s0 =	sadd.s32 s2, s0  }
0x19f: {  	[tilespmem:s31], [sflag:$0x3] =	stream.linear.gather [hbm4b:s0+s4], $0x2000, $0x38;
	[tilespmem:$0x18000] =	vst v63  }
.LBB2_13:
0x1a0: {  	_ =	sfence.sel $0x180000  }
0x1a1: {  	[bflag:$0x0] =	sbarrier.arrive $0xFFFF  }
0x1a2: {  	_ =	strace $0x90000047  }
0x1a3: {  	s0 =	stileid.u32;
	[bflag:$0x2] =	sbarrier.arrive $0xFFFF  }
0x1a4: {  	p0 =	sne.s32 s0, $0x0;
	s0 =	rddreg [dreg:$0x3]  }
0x1a5: {  	s0 =	sadd.s32 @!p0 $0x100000, s0  }
0x1a6: {  	[sflag:s0] =	ssyncadd.tile.s32 @!p0 $0x1;
	_ =	shalt  }
.Lfunc_end2:
_tile_overlayer_lowered:
.L_overlay_start_2:
0x1a7: {  	(tag) =	ssettag $0x2  }
0x1a8: {  	s0 =	rddreg [dreg:$0x0];
	s2 =	stileid.u32  }
0x1a9: {  	s1 =	rddreg [dreg:$0x1];
	p0 =	sne.s32 s2, $0x0  }
0x1aa: {  	s3 =	rddreg [dreg:$0x2];
	[bflag:$0x3] =	sbarrier.arrive $0xFFFF;
	s2 =	simm.s32 @!p0 $0x1C06  }
0x1ab: {  	[timem:s3], [sflag:s2] =	dma.local @!p0 [hbm:s0], s1  }
0x1ac: {  	s0 =	simm.s32 @!p0 $0x6  }
0x1ad: {  	_ =	swait.ge @!p0 [sflag:s0], s1  }
0x1ae: {  	s1 =	ssub.s32 @!p0 $0x0, s1;
	[sflag:s0] =	ssyncset.done @!p0 $0x0  }
0x1af: {  	[sflag:s0] =	ssyncadd.s32 @!p0 s1  }
0x1b0: {  	[bflag:$0x3] =	sbarrier.arrive $0xFFFF  }
0x1b1: {  	_ =	shalt  }

</sc_bundles>
